<compile_context>
chip_gen: v7x
topology: tpu7x:2x2x1
jax: 0.10.2.dev20260603
libtpu: 0.0.44.dev20260713+nightly
codegen_flags: <defaults>
</compile_context>

<pallas_src>
import functools

import jax
import jax.numpy as jnp
from jax import lax
from jax.experimental import pallas as pl
from jax.experimental.pallas import tpu as pltpu
from jax.experimental.pallas import tpu_sc as plsc

B = 4096
S = 13
E = 16
V = 100000
SE = S * E
N = B * S
NW = 32
PER_W = N // NW
BW = B // NW
NBLK = PER_W // 16

_sc_mesh = plsc.VectorSubcoreMesh(core_axis_name="c", subcore_axis_name="s")


@functools.partial(
    pl.kernel,
    mesh=_sc_mesh,
    compiler_params=pltpu.CompilerParams(use_tc_tiling_on_sc=False,
                                         needs_layout_passes=False),
    out_type=jax.ShapeDtypeStruct((N * E,), jnp.float32),
    scratch_types=[
        pltpu.VMEM((PER_W,), jnp.int32),
        pltpu.VMEM((S, BW), jnp.float32),
        pltpu.VMEM((PER_W * E,), jnp.int32),
        pltpu.VMEM((PER_W * E,), jnp.float32),
        pltpu.SemaphoreType.DMA,
    ],
)
def _sc_gather(idx_hbm, xvsp_hbm, t_hbm, out_hbm,
               idx_v, f_v, eidx, rows, sem):
    wid = lax.axis_index("s") * 2 + lax.axis_index("c")
    base = wid * PER_W
    pltpu.sync_copy(idx_hbm.at[pl.ds(base, PER_W)], idx_v)
    pltpu.sync_copy(xvsp_hbm.at[:, pl.ds(wid * BW, BW)], f_v)
    iota = lax.iota(jnp.int32, 16)

    def addr_body(j, _):
        ell = j * 16 + iota
        s = lax.rem(ell, S)
        v = plsc.load_gather(idx_v, [ell])
        base_e = s * (E * V) + v
        for e in range(E):
            plsc.store_scatter(eidx, [ell * E + e], base_e + e * V)
        return 0

    lax.fori_loop(0, NBLK, addr_body, 0)

    pltpu.async_copy(t_hbm.at[eidx], rows, sem).wait()

    def scale_body(j, _):
        ell = j * 16 + iota
        s = lax.rem(ell, S)
        brel = lax.div(ell, S)
        fvec = plsc.load_gather(f_v, [s, brel])
        for e in range(E):
            pos = ell * E + e
            r = plsc.load_gather(rows, [pos]) * fvec
            plsc.store_scatter(rows, [pos], r)
        return 0

    lax.fori_loop(0, NBLK, scale_body, 0)

    pltpu.sync_copy(rows, out_hbm.at[pl.ds(base * E, PER_W * E)])


def _tc_body(emb1, emb2, xirep, xils, wc1s, bc1s, xvrep,
             wc2f, bc2f, w1a, w1b, bl1, g1, be1, w2, bl2, g2, be2,
             m_eye, bias, out):
    f32 = jnp.float32
    fo = jnp.sum(emb1[...], axis=1, keepdims=True)
    t1 = xils[...] * wc1s[...] + bc1s[...]
    fo = fo + jnp.sum(t1 * xvrep[...], axis=1, keepdims=True)
    conv2 = xirep[...] * wc2f[...] + bc2f[...]
    fm2 = emb2[...]
    ssum = jnp.dot(conv2 + fm2, m_eye[...], preferred_element_type=f32)
    so = 0.5 * (jnp.sum(ssum * ssum, axis=1, keepdims=True)
                - jnp.sum(conv2 * conv2 + fm2 * fm2, axis=1, keepdims=True))
    z1 = (jnp.dot(conv2, w1a[...], preferred_element_type=f32)
          + jnp.dot(fm2, w1b[...], preferred_element_type=f32) + bl1[...])
    m1 = jnp.mean(z1, axis=0, keepdims=True)
    c1 = z1 - m1
    v1 = jnp.mean(c1 * c1, axis=0, keepdims=True)
    h1 = c1 * lax.rsqrt(v1 + 1e-5) * g1[...] + be1[...]
    z2 = jnp.dot(h1, w2[...], preferred_element_type=f32) + bl2[...]
    m2 = jnp.mean(z2, axis=0, keepdims=True)
    c2 = z2 - m2
    v2 = jnp.mean(c2 * c2, axis=0, keepdims=True)
    a2 = g2[...] * lax.rsqrt(v2 + 1e-5)
    hs = jnp.sum(c2 * a2, axis=1, keepdims=True) + jnp.sum(be2[...])
    out[...] = fo + so + hs + bias[...]


def kernel(Xi, Xv, Wc1, bc1, Wc2, bc2, E1t, E2t, Wl1, bl1, Wl2, bl2,
           g1, be1, g2, be2, bias):
    f32 = jnp.float32
    Xi_lin = Xi[:, :S, 0].astype(f32)
    idx_flat = Xi[:, S:, 0].reshape(-1)
    xvsp = Xv[:, S:].reshape(S, B)

    t1_flat = E1t.transpose(0, 2, 1).reshape(-1)
    emb1_f = _sc_gather(idx_flat, xvsp, t1_flat)
    t2_flat = E2t.transpose(0, 2, 1).reshape(-1)
    emb2_f = _sc_gather(idx_flat, xvsp, t2_flat)
    emb1 = emb1_f.reshape(B, SE)
    emb2 = emb2_f.reshape(B, SE)

    xirep = jnp.broadcast_to(Xi_lin[:, :, None], (B, S, E)).reshape(B, SE)
    xils = xirep.T.reshape(B, SE)
    wc1s = jnp.broadcast_to(Wc1.reshape(-1)[:, None], (SE, B)).reshape(B, SE)
    bc1s = jnp.broadcast_to(bc1.reshape(-1)[:, None], (SE, B)).reshape(B, SE)
    xvrep = jnp.broadcast_to(Xv[:, :S][:, :, None], (B, S, E)).reshape(B, SE)
    m_eye = jnp.tile(jnp.eye(E, dtype=f32), (S, 1))

    out = pl.pallas_call(
        _tc_body,
        out_shape=jax.ShapeDtypeStruct((B, 1), f32),
    )(emb1, emb2, xirep, xils, wc1s, bc1s, xvrep,
      Wc2.reshape(1, SE), bc2.reshape(1, SE),
      Wl1[:, :SE].T, Wl1[:, SE:].T, bl1.reshape(1, -1),
      g1.reshape(1, -1), be1.reshape(1, -1),
      Wl2.T, bl2.reshape(1, -1), g2.reshape(1, -1), be2.reshape(1, -1),
      m_eye, bias.reshape(B, 1))
    return out.reshape(B)

# --- scband reference (transcript-rebuilt; emitter-appended) ---
"""Pipeline reference for scband-deep-fm-27169963114981 (READ-ONLY COPY).

The authoritative reference and input builder live on the scoring server;
editing this copy changes nothing except your own understanding.
"""

import jax, jax.numpy as jnp
import numpy as np

B = 4096
F = 26
S = 13
E = 16
V = 100000
H1 = 512
H2 = 256


def _bn(x, g, b):
    m = jnp.mean(x, axis=0)
    v = jnp.mean((x - m) ** 2, axis=0)
    return (x - m) / jnp.sqrt(v + 1e-5) * g + b


def setup_inputs(seed: int = 0):
    key = jax.random.key(seed)
    ks = jax.random.split(key, 18)
    Xi = jax.random.randint(ks[0], (B, F, 1), 0, V).astype(jnp.int32)
    Xv = jax.random.uniform(ks[1], (B, F), dtype=jnp.float32)
    Wc1 = jax.random.normal(ks[2], (S, E), dtype=jnp.float32) * 0.001
    bc1 = jnp.zeros((S, E), dtype=jnp.float32)
    Wc2 = jax.random.normal(ks[3], (S, E), dtype=jnp.float32) * 0.001
    bc2 = jnp.zeros((S, E), dtype=jnp.float32)
    E1t = jax.random.normal(ks[4], (S, V, E), dtype=jnp.float32) * 0.01
    E2t = jax.random.normal(ks[5], (S, V, E), dtype=jnp.float32) * 0.01
    Wl1 = jax.random.normal(ks[6], (H1, F * E), dtype=jnp.float32) * 0.02
    bl1 = jnp.zeros((H1,), dtype=jnp.float32)
    Wl2 = jax.random.normal(ks[7], (H2, H1), dtype=jnp.float32) * 0.02
    bl2 = jnp.zeros((H2,), dtype=jnp.float32)
    g1 = jnp.ones((H1,), dtype=jnp.float32)
    be1 = jnp.zeros((H1,), dtype=jnp.float32)
    g2 = jnp.ones((H2,), dtype=jnp.float32)
    be2 = jnp.zeros((H2,), dtype=jnp.float32)
    bias = jax.random.normal(ks[8], (B,), dtype=jnp.float32)
    return {"Xi": Xi, "Xv": Xv, "Wc1": Wc1, "bc1": bc1, "Wc2": Wc2, "bc2": bc2,
            "E1t": E1t, "E2t": E2t, "Wl1": Wl1, "bl1": bl1, "Wl2": Wl2, "bl2": bl2,
            "g1": g1, "be1": be1, "g2": g2, "be2": be2, "bias": bias}


def reference(Xi, Xv, Wc1, bc1, Wc2, bc2, E1t, E2t, Wl1, bl1, Wl2, bl2, g1, be1, g2, be2, bias):
    # dense (first 13) fields treated as float inputs to grouped 1x1 conv (per-field linear)
    Xi_lin = Xi[:, :S, 0].astype(jnp.float32)
    idx = Xi[:, S:, 0]  # (B, 13) sparse indices, one per table
    # ---- fm first order ----
    conv1 = (Xi_lin[:, :, None] * Wc1[None] + bc1[None]).reshape(B, S * E, 1)
    t1 = jnp.transpose(conv1, (1, 0, 2)).reshape(-1, E).reshape(B, S, E)
    fm1_lin = (t1 * Xv[:, :S][:, :, None]).reshape(B, -1)
    emb1 = E1t[jnp.arange(S)[None, :], idx]  # (B, S, E) table-batched embedding bag, 1 idx per bag
    Xv_sp = Xv[:, S:].reshape(S, 1, B)
    fm1_emb = (emb1.reshape(S, E, B) * Xv_sp).reshape(B, -1)
    fm_first_order = jnp.concatenate([fm1_lin, fm1_emb], axis=1)
    # ---- fm second order ----
    conv2 = (Xi_lin[:, :, None] * Wc2[None] + bc2[None]).reshape(B, S * E, 1)
    emb2 = E2t[jnp.arange(S)[None, :], idx]
    fm2_emb = (emb2.reshape(S, E, B) * Xv_sp).reshape(B, S, E)
    # ---- deep part ----
    deep_emb = jnp.concatenate([conv2.reshape(B, -1), fm2_emb.reshape(B, -1)], axis=1)
    fm2_lin = jnp.transpose(conv2.reshape(B, -1, E), (1, 0, 2))  # (S, B, E)
    ssum = jnp.sum(fm2_lin, axis=0) + jnp.sum(fm2_emb, axis=1)
    sum_sq = ssum * ssum
    sq_sum = jnp.sum(fm2_lin * fm2_lin, axis=0) + jnp.sum(fm2_emb * fm2_emb, axis=1)
    fm_second_order = 0.5 * (sum_sq - sq_sum)
    h = deep_emb @ Wl1.T + bl1
    h = _bn(h, g1, be1)
    h = h @ Wl2.T + bl2
    h = _bn(h, g2, be2)
    total = jnp.sum(fm_first_order, axis=1) + jnp.sum(fm_second_order, axis=1) + jnp.sum(h, axis=1) + bias
    return total

if __name__ == "__main__":
    import jax
    _d = setup_inputs()
    print(jax.jit(kernel)(*tuple(_d.values())))

</pallas_src>

<mosaic_0001>
#map = affine_map<(d0, d1) -> (0)>
#map1 = affine_map<(d0, d1) -> (0, 0)>
module attributes {stable_mosaic.version = 14 : i64} {
  func.func @_sc_gather(%arg0: i32, %arg1: i32, %arg2: memref<53248xi32, #tpu.memory_space<hbm>>, %arg3: memref<13x4096xf32, #tpu.memory_space<hbm>>, %arg4: memref<20800000xf32, #tpu.memory_space<hbm>>, %arg5: memref<851968xf32, #tpu.memory_space<hbm>>, %arg6: memref<1664xi32, #tpu.memory_space<vmem>>, %arg7: memref<13x128xf32, #tpu.memory_space<vmem>>, %arg8: memref<26624xi32, #tpu.memory_space<vmem>>, %arg9: memref<26624xf32, #tpu.memory_space<vmem>>, %arg10: memref<!tpu.dma_semaphore, #tpu.memory_space<semaphore_mem>>) attributes {dimension_semantics = [#tpu.dimension_semantics<core_parallel>, #tpu.dimension_semantics<subcore_parallel>], iteration_bounds = array<i64: 2, 16>, scalar_prefetch = 0 : i64, scratch_operands = 5 : i64, tpu.core_type = #tpu.core_type<sc_vector_subcore>, window_params = [{transform_indices = #map}, {transform_indices = #map1}, {transform_indices = #map}, {transform_indices = #map}]} {
    %mul3A = arith.constant 2 : i32
    %mul3A_0 = arith.muli %arg1, %mul3A : i32
    %add3A = arith.addi %mul3A_0, %arg0 : i32
    %mul3A_1 = arith.constant 1664 : i32
    %mul3A_2 = arith.muli %add3A, %mul3A_1 : i32
    "tpu.region"() ({
      %run_scoped3A = tpu.sem_alloc : memref<!tpu.dma_semaphore, #tpu.memory_space<semaphore_mem>>
      %dma_start3A_22 = tpu.memref_slice %arg2[%mul3A_2] : memref<53248xi32, #tpu.memory_space<hbm>> -> memref<1664xi32, #tpu.memory_space<hbm>>
      %dma_start3A_23 = tpu.memref_slice %arg2[%mul3A_2] : memref<53248xi32, #tpu.memory_space<hbm>> -> memref<1664xi32, #tpu.memory_space<hbm>>
      tpu.enqueue_dma source(%dma_start3A_23 : memref<1664xi32, #tpu.memory_space<hbm>>) target(%arg6 : memref<1664xi32, #tpu.memory_space<vmem>>) target_semaphore(%run_scoped3A : memref<!tpu.dma_semaphore, #tpu.memory_space<semaphore_mem>>)
      %dma_wait3A_24 = tpu.memref_slice %arg2[%mul3A_2] : memref<53248xi32, #tpu.memory_space<hbm>> -> memref<1664xi32, #tpu.memory_space<hbm>>
      %dma_wait3A_25 = tpu.memref_slice %arg2[%mul3A_2] : memref<53248xi32, #tpu.memory_space<hbm>> -> memref<1664xi32, #tpu.memory_space<hbm>>
      tpu.wait_dma2 semaphore(%run_scoped3A : memref<!tpu.dma_semaphore, #tpu.memory_space<semaphore_mem>>) src(%dma_wait3A_25 : memref<1664xi32, #tpu.memory_space<hbm>>) dst(%arg6 : memref<1664xi32, #tpu.memory_space<vmem>>)
      tpu.yield
    }) : () -> ()
    %mul3A_3 = arith.constant 128 : i32
    %mul3A_4 = arith.muli %add3A, %mul3A_3 : i32
    "tpu.region"() ({
      %run_scoped3A = tpu.sem_alloc : memref<!tpu.dma_semaphore, #tpu.memory_space<semaphore_mem>>
      %dma_start3A_22 = arith.constant 0 : i32
      %dma_start3A_23 = tpu.memref_slice %arg3[%dma_start3A_22, %mul3A_4] : memref<13x4096xf32, #tpu.memory_space<hbm>> -> memref<13x128xf32, #tpu.memory_space<hbm>>
      %dma_start3A_24 = arith.constant 0 : i32
      %dma_start3A_25 = tpu.memref_slice %arg3[%dma_start3A_24, %mul3A_4] : memref<13x4096xf32, #tpu.memory_space<hbm>> -> memref<13x128xf32, #tpu.memory_space<hbm>>
      tpu.enqueue_dma source(%dma_start3A_25 : memref<13x128xf32, #tpu.memory_space<hbm>>) target(%arg7 : memref<13x128xf32, #tpu.memory_space<vmem>>) target_semaphore(%run_scoped3A : memref<!tpu.dma_semaphore, #tpu.memory_space<semaphore_mem>>)
      %dma_wait3A_26 = arith.constant 0 : i32
      %dma_wait3A_27 = tpu.memref_slice %arg3[%dma_wait3A_26, %mul3A_4] : memref<13x4096xf32, #tpu.memory_space<hbm>> -> memref<13x128xf32, #tpu.memory_space<hbm>>
      %dma_wait3A_28 = arith.constant 0 : i32
      %dma_wait3A_29 = tpu.memref_slice %arg3[%dma_wait3A_28, %mul3A_4] : memref<13x4096xf32, #tpu.memory_space<hbm>> -> memref<13x128xf32, #tpu.memory_space<hbm>>
      tpu.wait_dma2 semaphore(%run_scoped3A : memref<!tpu.dma_semaphore, #tpu.memory_space<semaphore_mem>>) src(%dma_wait3A_29 : memref<13x128xf32, #tpu.memory_space<hbm>>) dst(%arg7 : memref<13x128xf32, #tpu.memory_space<vmem>>)
      tpu.yield
    }) : () -> ()
    %iota3A = tpu.iota {dimensions = array<i32: 0>} : vector<16xi32>
    %scan3A = arith.constant 0 : i32
    %scan3A_5 = arith.constant 0 : i32
    %scan3A_6 = arith.constant 104 : i32
    %scan3A_7 = arith.addi %scan3A_5, %scan3A_6 : i32
    %scan3A_8 = arith.constant 1 : i32
    %scan3A_9 = scf.for %scan3A_22 = %scan3A_5 to %scan3A_7 step %scan3A_8 iter_args(%scan3A_23 = %scan3A) -> (i32)  : i32 {
      %mul3A_24 = arith.constant 16 : i32
      %mul3A_25 = arith.muli %scan3A_22, %mul3A_24 : i32
      %add3A_26 = vector.broadcast %mul3A_25 : i32 to vector<16xi32>
      %add3A_27 = arith.addi %add3A_26, %iota3A : vector<16xi32>
      %rem3A = arith.constant 13 : i32
      %rem3A_28 = vector.broadcast %rem3A : i32 to vector<16xi32>
      %rem3A_29 = arith.remsi %add3A_27, %rem3A_28 : vector<16xi32>
      %gather3A = tpu.vector_load_idx %arg6[%add3A_27] : memref<1664xi32, #tpu.memory_space<vmem>>[vector<16xi32>], vector<16xi32>,
      %mul3A_30 = arith.constant 1600000 : i32
      %mul3A_31 = vector.broadcast %mul3A_30 : i32 to vector<16xi32>
      %mul3A_32 = arith.muli %rem3A_29, %mul3A_31 : vector<16xi32>
      %add3A_33 = arith.addi %mul3A_32, %gather3A : vector<16xi32>
      %mul3A_34 = arith.constant 16 : i32
      %mul3A_35 = vector.broadcast %mul3A_34 : i32 to vector<16xi32>
      %mul3A_36 = arith.muli %add3A_27, %mul3A_35 : vector<16xi32>
      %add3A_37 = arith.constant 0 : i32
      %add3A_38 = vector.broadcast %add3A_37 : i32 to vector<16xi32>
      %add3A_39 = arith.addi %mul3A_36, %add3A_38 : vector<16xi32>
      %add3A_40 = arith.constant 0 : i32
      %add3A_41 = vector.broadcast %add3A_40 : i32 to vector<16xi32>
      %add3A_42 = arith.addi %add3A_33, %add3A_41 : vector<16xi32>
      tpu.vector_store_idx %arg8[%add3A_39], %add3A_42 : memref<26624xi32, #tpu.memory_space<vmem>>[vector<16xi32>], vector<16xi32>,
      %mul3A_43 = arith.constant 16 : i32
      %mul3A_44 = vector.broadcast %mul3A_43 : i32 to vector<16xi32>
      %mul3A_45 = arith.muli %add3A_27, %mul3A_44 : vector<16xi32>
      %add3A_46 = arith.constant 1 : i32
      %add3A_47 = vector.broadcast %add3A_46 : i32 to vector<16xi32>
      %add3A_48 = arith.addi %mul3A_45, %add3A_47 : vector<16xi32>
      %add3A_49 = arith.constant 100000 : i32
      %add3A_50 = vector.broadcast %add3A_49 : i32 to vector<16xi32>
      %add3A_51 = arith.addi %add3A_33, %add3A_50 : vector<16xi32>
      tpu.vector_store_idx %arg8[%add3A_48], %add3A_51 : memref<26624xi32, #tpu.memory_space<vmem>>[vector<16xi32>], vector<16xi32>,
      %mul3A_52 = arith.constant 16 : i32
      %mul3A_53 = vector.broadcast %mul3A_52 : i32 to vector<16xi32>
      %mul3A_54 = arith.muli %add3A_27, %mul3A_53 : vector<16xi32>
      %add3A_55 = arith.constant 2 : i32
      %add3A_56 = vector.broadcast %add3A_55 : i32 to vector<16xi32>
      %add3A_57 = arith.addi %mul3A_54, %add3A_56 : vector<16xi32>
      %add3A_58 = arith.constant 200000 : i32
      %add3A_59 = vector.broadcast %add3A_58 : i32 to vector<16xi32>
      %add3A_60 = arith.addi %add3A_33, %add3A_59 : vector<16xi32>
      tpu.vector_store_idx %arg8[%add3A_57], %add3A_60 : memref<26624xi32, #tpu.memory_space<vmem>>[vector<16xi32>], vector<16xi32>,
      %mul3A_61 = arith.constant 16 : i32
      %mul3A_62 = vector.broadcast %mul3A_61 : i32 to vector<16xi32>
      %mul3A_63 = arith.muli %add3A_27, %mul3A_62 : vector<16xi32>
      %add3A_64 = arith.constant 3 : i32
      %add3A_65 = vector.broadcast %add3A_64 : i32 to vector<16xi32>
      %add3A_66 = arith.addi %mul3A_63, %add3A_65 : vector<16xi32>
      %add3A_67 = arith.constant 300000 : i32
      %add3A_68 = vector.broadcast %add3A_67 : i32 to vector<16xi32>
      %add3A_69 = arith.addi %add3A_33, %add3A_68 : vector<16xi32>
      tpu.vector_store_idx %arg8[%add3A_66], %add3A_69 : memref<26624xi32, #tpu.memory_space<vmem>>[vector<16xi32>], vector<16xi32>,
      %mul3A_70 = arith.constant 16 : i32
      %mul3A_71 = vector.broadcast %mul3A_70 : i32 to vector<16xi32>
      %mul3A_72 = arith.muli %add3A_27, %mul3A_71 : vector<16xi32>
      %add3A_73 = arith.constant 4 : i32
      %add3A_74 = vector.broadcast %add3A_73 : i32 to vector<16xi32>
      %add3A_75 = arith.addi %mul3A_72, %add3A_74 : vector<16xi32>
      %add3A_76 = arith.constant 400000 : i32
      %add3A_77 = vector.broadcast %add3A_76 : i32 to vector<16xi32>
      %add3A_78 = arith.addi %add3A_33, %add3A_77 : vector<16xi32>
      tpu.vector_store_idx %arg8[%add3A_75], %add3A_78 : memref<26624xi32, #tpu.memory_space<vmem>>[vector<16xi32>], vector<16xi32>,
      %mul3A_79 = arith.constant 16 : i32
      %mul3A_80 = vector.broadcast %mul3A_79 : i32 to vector<16xi32>
      %mul3A_81 = arith.muli %add3A_27, %mul3A_80 : vector<16xi32>
      %add3A_82 = arith.constant 5 : i32
      %add3A_83 = vector.broadcast %add3A_82 : i32 to vector<16xi32>
      %add3A_84 = arith.addi %mul3A_81, %add3A_83 : vector<16xi32>
      %add3A_85 = arith.constant 500000 : i32
      %add3A_86 = vector.broadcast %add3A_85 : i32 to vector<16xi32>
      %add3A_87 = arith.addi %add3A_33, %add3A_86 : vector<16xi32>
      tpu.vector_store_idx %arg8[%add3A_84], %add3A_87 : memref<26624xi32, #tpu.memory_space<vmem>>[vector<16xi32>], vector<16xi32>,
      %mul3A_88 = arith.constant 16 : i32
      %mul3A_89 = vector.broadcast %mul3A_88 : i32 to vector<16xi32>
      %mul3A_90 = arith.muli %add3A_27, %mul3A_89 : vector<16xi32>
      %add3A_91 = arith.constant 6 : i32
      %add3A_92 = vector.broadcast %add3A_91 : i32 to vector<16xi32>
      %add3A_93 = arith.addi %mul3A_90, %add3A_92 : vector<16xi32>
      %add3A_94 = arith.constant 600000 : i32
      %add3A_95 = vector.broadcast %add3A_94 : i32 to vector<16xi32>
      %add3A_96 = arith.addi %add3A_33, %add3A_95 : vector<16xi32>
      tpu.vector_store_idx %arg8[%add3A_93], %add3A_96 : memref<26624xi32, #tpu.memory_space<vmem>>[vector<16xi32>], vector<16xi32>,
      %mul3A_97 = arith.constant 16 : i32
      %mul3A_98 = vector.broadcast %mul3A_97 : i32 to vector<16xi32>
      %mul3A_99 = arith.muli %add3A_27, %mul3A_98 : vector<16xi32>
      %add3A_100 = arith.constant 7 : i32
      %add3A_101 = vector.broadcast %add3A_100 : i32 to vector<16xi32>
      %add3A_102 = arith.addi %mul3A_99, %add3A_101 : vector<16xi32>
      %add3A_103 = arith.constant 700000 : i32
      %add3A_104 = vector.broadcast %add3A_103 : i32 to vector<16xi32>
      %add3A_105 = arith.addi %add3A_33, %add3A_104 : vector<16xi32>
      tpu.vector_store_idx %arg8[%add3A_102], %add3A_105 : memref<26624xi32, #tpu.memory_space<vmem>>[vector<16xi32>], vector<16xi32>,
      %mul3A_106 = arith.constant 16 : i32
      %mul3A_107 = vector.broadcast %mul3A_106 : i32 to vector<16xi32>
      %mul3A_108 = arith.muli %add3A_27, %mul3A_107 : vector<16xi32>
      %add3A_109 = arith.constant 8 : i32
      %add3A_110 = vector.broadcast %add3A_109 : i32 to vector<16xi32>
      %add3A_111 = arith.addi %mul3A_108, %add3A_110 : vector<16xi32>
      %add3A_112 = arith.constant 800000 : i32
      %add3A_113 = vector.broadcast %add3A_112 : i32 to vector<16xi32>
      %add3A_114 = arith.addi %add3A_33, %add3A_113 : vector<16xi32>
      tpu.vector_store_idx %arg8[%add3A_111], %add3A_114 : memref<26624xi32, #tpu.memory_space<vmem>>[vector<16xi32>], vector<16xi32>,
      %mul3A_115 = arith.constant 16 : i32
      %mul3A_116 = vector.broadcast %mul3A_115 : i32 to vector<16xi32>
      %mul3A_117 = arith.muli %add3A_27, %mul3A_116 : vector<16xi32>
      %add3A_118 = arith.constant 9 : i32
      %add3A_119 = vector.broadcast %add3A_118 : i32 to vector<16xi32>
      %add3A_120 = arith.addi %mul3A_117, %add3A_119 : vector<16xi32>
      %add3A_121 = arith.constant 900000 : i32
      %add3A_122 = vector.broadcast %add3A_121 : i32 to vector<16xi32>
      %add3A_123 = arith.addi %add3A_33, %add3A_122 : vector<16xi32>
      tpu.vector_store_idx %arg8[%add3A_120], %add3A_123 : memref<26624xi32, #tpu.memory_space<vmem>>[vector<16xi32>], vector<16xi32>,
      %mul3A_124 = arith.constant 16 : i32
      %mul3A_125 = vector.broadcast %mul3A_124 : i32 to vector<16xi32>
      %mul3A_126 = arith.muli %add3A_27, %mul3A_125 : vector<16xi32>
      %add3A_127 = arith.constant 10 : i32
      %add3A_128 = vector.broadcast %add3A_127 : i32 to vector<16xi32>
      %add3A_129 = arith.addi %mul3A_126, %add3A_128 : vector<16xi32>
      %add3A_130 = arith.constant 1000000 : i32
      %add3A_131 = vector.broadcast %add3A_130 : i32 to vector<16xi32>
      %add3A_132 = arith.addi %add3A_33, %add3A_131 : vector<16xi32>
      tpu.vector_store_idx %arg8[%add3A_129], %add3A_132 : memref<26624xi32, #tpu.memory_space<vmem>>[vector<16xi32>], vector<16xi32>,
      %mul3A_133 = arith.constant 16 : i32
      %mul3A_134 = vector.broadcast %mul3A_133 : i32 to vector<16xi32>
      %mul3A_135 = arith.muli %add3A_27, %mul3A_134 : vector<16xi32>
      %add3A_136 = arith.constant 11 : i32
      %add3A_137 = vector.broadcast %add3A_136 : i32 to vector<16xi32>
      %add3A_138 = arith.addi %mul3A_135, %add3A_137 : vector<16xi32>
      %add3A_139 = arith.constant 1100000 : i32
      %add3A_140 = vector.broadcast %add3A_139 : i32 to vector<16xi32>
      %add3A_141 = arith.addi %add3A_33, %add3A_140 : vector<16xi32>
      tpu.vector_store_idx %arg8[%add3A_138], %add3A_141 : memref<26624xi32, #tpu.memory_space<vmem>>[vector<16xi32>], vector<16xi32>,
      %mul3A_142 = arith.constant 16 : i32
      %mul3A_143 = vector.broadcast %mul3A_142 : i32 to vector<16xi32>
      %mul3A_144 = arith.muli %add3A_27, %mul3A_143 : vector<16xi32>
      %add3A_145 = arith.constant 12 : i32
      %add3A_146 = vector.broadcast %add3A_145 : i32 to vector<16xi32>
      %add3A_147 = arith.addi %mul3A_144, %add3A_146 : vector<16xi32>
      %add3A_148 = arith.constant 1200000 : i32
      %add3A_149 = vector.broadcast %add3A_148 : i32 to vector<16xi32>
      %add3A_150 = arith.addi %add3A_33, %add3A_149 : vector<16xi32>
      tpu.vector_store_idx %arg8[%add3A_147], %add3A_150 : memref<26624xi32, #tpu.memory_space<vmem>>[vector<16xi32>], vector<16xi32>,
      %mul3A_151 = arith.constant 16 : i32
      %mul3A_152 = vector.broadcast %mul3A_151 : i32 to vector<16xi32>
      %mul3A_153 = arith.muli %add3A_27, %mul3A_152 : vector<16xi32>
      %add3A_154 = arith.constant 13 : i32
      %add3A_155 = vector.broadcast %add3A_154 : i32 to vector<16xi32>
      %add3A_156 = arith.addi %mul3A_153, %add3A_155 : vector<16xi32>
      %add3A_157 = arith.constant 1300000 : i32
      %add3A_158 = vector.broadcast %add3A_157 : i32 to vector<16xi32>
      %add3A_159 = arith.addi %add3A_33, %add3A_158 : vector<16xi32>
      tpu.vector_store_idx %arg8[%add3A_156], %add3A_159 : memref<26624xi32, #tpu.memory_space<vmem>>[vector<16xi32>], vector<16xi32>,
      %mul3A_160 = arith.constant 16 : i32
      %mul3A_161 = vector.broadcast %mul3A_160 : i32 to vector<16xi32>
      %mul3A_162 = arith.muli %add3A_27, %mul3A_161 : vector<16xi32>
      %add3A_163 = arith.constant 14 : i32
      %add3A_164 = vector.broadcast %add3A_163 : i32 to vector<16xi32>
      %add3A_165 = arith.addi %mul3A_162, %add3A_164 : vector<16xi32>
      %add3A_166 = arith.constant 1400000 : i32
      %add3A_167 = vector.broadcast %add3A_166 : i32 to vector<16xi32>
      %add3A_168 = arith.addi %add3A_33, %add3A_167 : vector<16xi32>
      tpu.vector_store_idx %arg8[%add3A_165], %add3A_168 : memref<26624xi32, #tpu.memory_space<vmem>>[vector<16xi32>], vector<16xi32>,
      %mul3A_169 = arith.constant 16 : i32
      %mul3A_170 = vector.broadcast %mul3A_169 : i32 to vector<16xi32>
      %mul3A_171 = arith.muli %add3A_27, %mul3A_170 : vector<16xi32>
      %add3A_172 = arith.constant 15 : i32
      %add3A_173 = vector.broadcast %add3A_172 : i32 to vector<16xi32>
      %add3A_174 = arith.addi %mul3A_171, %add3A_173 : vector<16xi32>
      %add3A_175 = arith.constant 1500000 : i32
      %add3A_176 = vector.broadcast %add3A_175 : i32 to vector<16xi32>
      %add3A_177 = arith.addi %add3A_33, %add3A_176 : vector<16xi32>
      tpu.vector_store_idx %arg8[%add3A_174], %add3A_177 : memref<26624xi32, #tpu.memory_space<vmem>>[vector<16xi32>], vector<16xi32>,
      %scan3A_178 = arith.constant 0 : i32
      scf.yield %scan3A_178 : i32
    }
    %scan3A_10 = arith.constant 104 : i32
    %dma_start3A = arith.constant 0 : i32
    %dma_start3A_11 = tpu.memref_slice %arg4[%dma_start3A] : memref<20800000xf32, #tpu.memory_space<hbm>> -> memref<20800000xf32, #tpu.memory_space<hbm>>
    tpu.enqueue_indirect_dma source(%dma_start3A_11 : memref<20800000xf32, #tpu.memory_space<hbm>>) target(%arg9 : memref<26624xf32, #tpu.memory_space<vmem>>) offsets(%arg8 : memref<26624xi32, #tpu.memory_space<vmem>>) semaphore(%arg10 : memref<!tpu.dma_semaphore, #tpu.memory_space<semaphore_mem>>)
    %dma_wait3A = arith.constant 0 : i32
    %dma_wait3A_12 = tpu.memref_slice %arg4[%dma_wait3A] : memref<20800000xf32, #tpu.memory_space<hbm>> -> memref<20800000xf32, #tpu.memory_space<hbm>>
    tpu.wait_indirect_dma semaphore(%arg10 : memref<!tpu.dma_semaphore, #tpu.memory_space<semaphore_mem>>) src(%dma_wait3A_12 : memref<20800000xf32, #tpu.memory_space<hbm>>) dst(%arg9 : memref<26624xf32, #tpu.memory_space<vmem>>)
    %scan3A_13 = arith.constant 0 : i32
    %scan3A_14 = arith.constant 0 : i32
    %scan3A_15 = arith.constant 104 : i32
    %scan3A_16 = arith.addi %scan3A_14, %scan3A_15 : i32
    %scan3A_17 = arith.constant 1 : i32
    %scan3A_18 = scf.for %scan3A_22 = %scan3A_14 to %scan3A_16 step %scan3A_17 iter_args(%scan3A_23 = %scan3A_13) -> (i32)  : i32 {
      %mul3A_24 = arith.constant 16 : i32
      %mul3A_25 = arith.muli %scan3A_22, %mul3A_24 : i32
      %add3A_26 = vector.broadcast %mul3A_25 : i32 to vector<16xi32>
      %add3A_27 = arith.addi %add3A_26, %iota3A : vector<16xi32>
      %rem3A = arith.constant 13 : i32
      %rem3A_28 = vector.broadcast %rem3A : i32 to vector<16xi32>
      %rem3A_29 = arith.remsi %add3A_27, %rem3A_28 : vector<16xi32>
      %div3A = arith.constant 13 : i32
      %div3A_30 = vector.broadcast %div3A : i32 to vector<16xi32>
      %div3A_31 = arith.divsi %add3A_27, %div3A_30 : vector<16xi32>
      %gather3A = tpu.vector_load_idx %arg7[%rem3A_29, %div3A_31] : memref<13x128xf32, #tpu.memory_space<vmem>>[vector<16xi32>, vector<16xi32>], vector<16xf32>,
      %mul3A_32 = arith.constant 16 : i32
      %mul3A_33 = vector.broadcast %mul3A_32 : i32 to vector<16xi32>
      %mul3A_34 = arith.muli %add3A_27, %mul3A_33 : vector<16xi32>
      %add3A_35 = arith.constant 0 : i32
      %add3A_36 = vector.broadcast %add3A_35 : i32 to vector<16xi32>
      %add3A_37 = arith.addi %mul3A_34, %add3A_36 : vector<16xi32>
      %gather3A_38 = tpu.vector_load_idx %arg9[%add3A_37] : memref<26624xf32, #tpu.memory_space<vmem>>[vector<16xi32>], vector<16xf32>,
      %mul3A_39 = arith.mulf %gather3A_38, %gather3A : vector<16xf32>
      tpu.vector_store_idx %arg9[%add3A_37], %mul3A_39 : memref<26624xf32, #tpu.memory_space<vmem>>[vector<16xi32>], vector<16xf32>,
      %mul3A_40 = arith.constant 16 : i32
      %mul3A_41 = vector.broadcast %mul3A_40 : i32 to vector<16xi32>
      %mul3A_42 = arith.muli %add3A_27, %mul3A_41 : vector<16xi32>
      %add3A_43 = arith.constant 1 : i32
      %add3A_44 = vector.broadcast %add3A_43 : i32 to vector<16xi32>
      %add3A_45 = arith.addi %mul3A_42, %add3A_44 : vector<16xi32>
      %gather3A_46 = tpu.vector_load_idx %arg9[%add3A_45] : memref<26624xf32, #tpu.memory_space<vmem>>[vector<16xi32>], vector<16xf32>,
      %mul3A_47 = arith.mulf %gather3A_46, %gather3A : vector<16xf32>
      tpu.vector_store_idx %arg9[%add3A_45], %mul3A_47 : memref<26624xf32, #tpu.memory_space<vmem>>[vector<16xi32>], vector<16xf32>,
      %mul3A_48 = arith.constant 16 : i32
      %mul3A_49 = vector.broadcast %mul3A_48 : i32 to vector<16xi32>
      %mul3A_50 = arith.muli %add3A_27, %mul3A_49 : vector<16xi32>
      %add3A_51 = arith.constant 2 : i32
      %add3A_52 = vector.broadcast %add3A_51 : i32 to vector<16xi32>
      %add3A_53 = arith.addi %mul3A_50, %add3A_52 : vector<16xi32>
      %gather3A_54 = tpu.vector_load_idx %arg9[%add3A_53] : memref<26624xf32, #tpu.memory_space<vmem>>[vector<16xi32>], vector<16xf32>,
      %mul3A_55 = arith.mulf %gather3A_54, %gather3A : vector<16xf32>
      tpu.vector_store_idx %arg9[%add3A_53], %mul3A_55 : memref<26624xf32, #tpu.memory_space<vmem>>[vector<16xi32>], vector<16xf32>,
      %mul3A_56 = arith.constant 16 : i32
      %mul3A_57 = vector.broadcast %mul3A_56 : i32 to vector<16xi32>
      %mul3A_58 = arith.muli %add3A_27, %mul3A_57 : vector<16xi32>
      %add3A_59 = arith.constant 3 : i32
      %add3A_60 = vector.broadcast %add3A_59 : i32 to vector<16xi32>
      %add3A_61 = arith.addi %mul3A_58, %add3A_60 : vector<16xi32>
      %gather3A_62 = tpu.vector_load_idx %arg9[%add3A_61] : memref<26624xf32, #tpu.memory_space<vmem>>[vector<16xi32>], vector<16xf32>,
      %mul3A_63 = arith.mulf %gather3A_62, %gather3A : vector<16xf32>
      tpu.vector_store_idx %arg9[%add3A_61], %mul3A_63 : memref<26624xf32, #tpu.memory_space<vmem>>[vector<16xi32>], vector<16xf32>,
      %mul3A_64 = arith.constant 16 : i32
      %mul3A_65 = vector.broadcast %mul3A_64 : i32 to vector<16xi32>
      %mul3A_66 = arith.muli %add3A_27, %mul3A_65 : vector<16xi32>
      %add3A_67 = arith.constant 4 : i32
      %add3A_68 = vector.broadcast %add3A_67 : i32 to vector<16xi32>
      %add3A_69 = arith.addi %mul3A_66, %add3A_68 : vector<16xi32>
      %gather3A_70 = tpu.vector_load_idx %arg9[%add3A_69] : memref<26624xf32, #tpu.memory_space<vmem>>[vector<16xi32>], vector<16xf32>,
      %mul3A_71 = arith.mulf %gather3A_70, %gather3A : vector<16xf32>
      tpu.vector_store_idx %arg9[%add3A_69], %mul3A_71 : memref<26624xf32, #tpu.memory_space<vmem>>[vector<16xi32>], vector<16xf32>,
      %mul3A_72 = arith.constant 16 : i32
      %mul3A_73 = vector.broadcast %mul3A_72 : i32 to vector<16xi32>
      %mul3A_74 = arith.muli %add3A_27, %mul3A_73 : vector<16xi32>
      %add3A_75 = arith.constant 5 : i32
      %add3A_76 = vector.broadcast %add3A_75 : i32 to vector<16xi32>
      %add3A_77 = arith.addi %mul3A_74, %add3A_76 : vector<16xi32>
      %gather3A_78 = tpu.vector_load_idx %arg9[%add3A_77] : memref<26624xf32, #tpu.memory_space<vmem>>[vector<16xi32>], vector<16xf32>,
      %mul3A_79 = arith.mulf %gather3A_78, %gather3A : vector<16xf32>
      tpu.vector_store_idx %arg9[%add3A_77], %mul3A_79 : memref<26624xf32, #tpu.memory_space<vmem>>[vector<16xi32>], vector<16xf32>,
      %mul3A_80 = arith.constant 16 : i32
      %mul3A_81 = vector.broadcast %mul3A_80 : i32 to vector<16xi32>
      %mul3A_82 = arith.muli %add3A_27, %mul3A_81 : vector<16xi32>
      %add3A_83 = arith.constant 6 : i32
      %add3A_84 = vector.broadcast %add3A_83 : i32 to vector<16xi32>
      %add3A_85 = arith.addi %mul3A_82, %add3A_84 : vector<16xi32>
      %gather3A_86 = tpu.vector_load_idx %arg9[%add3A_85] : memref<26624xf32, #tpu.memory_space<vmem>>[vector<16xi32>], vector<16xf32>,
      %mul3A_87 = arith.mulf %gather3A_86, %gather3A : vector<16xf32>
      tpu.vector_store_idx %arg9[%add3A_85], %mul3A_87 : memref<26624xf32, #tpu.memory_space<vmem>>[vector<16xi32>], vector<16xf32>,
      %mul3A_88 = arith.constant 16 : i32
      %mul3A_89 = vector.broadcast %mul3A_88 : i32 to vector<16xi32>
      %mul3A_90 = arith.muli %add3A_27, %mul3A_89 : vector<16xi32>
      %add3A_91 = arith.constant 7 : i32
      %add3A_92 = vector.broadcast %add3A_91 : i32 to vector<16xi32>
      %add3A_93 = arith.addi %mul3A_90, %add3A_92 : vector<16xi32>
      %gather3A_94 = tpu.vector_load_idx %arg9[%add3A_93] : memref<26624xf32, #tpu.memory_space<vmem>>[vector<16xi32>], vector<16xf32>,
      %mul3A_95 = arith.mulf %gather3A_94, %gather3A : vector<16xf32>
      tpu.vector_store_idx %arg9[%add3A_93], %mul3A_95 : memref<26624xf32, #tpu.memory_space<vmem>>[vector<16xi32>], vector<16xf32>,
      %mul3A_96 = arith.constant 16 : i32
      %mul3A_97 = vector.broadcast %mul3A_96 : i32 to vector<16xi32>
      %mul3A_98 = arith.muli %add3A_27, %mul3A_97 : vector<16xi32>
      %add3A_99 = arith.constant 8 : i32
      %add3A_100 = vector.broadcast %add3A_99 : i32 to vector<16xi32>
      %add3A_101 = arith.addi %mul3A_98, %add3A_100 : vector<16xi32>
      %gather3A_102 = tpu.vector_load_idx %arg9[%add3A_101] : memref<26624xf32, #tpu.memory_space<vmem>>[vector<16xi32>], vector<16xf32>,
      %mul3A_103 = arith.mulf %gather3A_102, %gather3A : vector<16xf32>
      tpu.vector_store_idx %arg9[%add3A_101], %mul3A_103 : memref<26624xf32, #tpu.memory_space<vmem>>[vector<16xi32>], vector<16xf32>,
      %mul3A_104 = arith.constant 16 : i32
      %mul3A_105 = vector.broadcast %mul3A_104 : i32 to vector<16xi32>
      %mul3A_106 = arith.muli %add3A_27, %mul3A_105 : vector<16xi32>
      %add3A_107 = arith.constant 9 : i32
      %add3A_108 = vector.broadcast %add3A_107 : i32 to vector<16xi32>
      %add3A_109 = arith.addi %mul3A_106, %add3A_108 : vector<16xi32>
      %gather3A_110 = tpu.vector_load_idx %arg9[%add3A_109] : memref<26624xf32, #tpu.memory_space<vmem>>[vector<16xi32>], vector<16xf32>,
      %mul3A_111 = arith.mulf %gather3A_110, %gather3A : vector<16xf32>
      tpu.vector_store_idx %arg9[%add3A_109], %mul3A_111 : memref<26624xf32, #tpu.memory_space<vmem>>[vector<16xi32>], vector<16xf32>,
      %mul3A_112 = arith.constant 16 : i32
      %mul3A_113 = vector.broadcast %mul3A_112 : i32 to vector<16xi32>
      %mul3A_114 = arith.muli %add3A_27, %mul3A_113 : vector<16xi32>
      %add3A_115 = arith.constant 10 : i32
      %add3A_116 = vector.broadcast %add3A_115 : i32 to vector<16xi32>
      %add3A_117 = arith.addi %mul3A_114, %add3A_116 : vector<16xi32>
      %gather3A_118 = tpu.vector_load_idx %arg9[%add3A_117] : memref<26624xf32, #tpu.memory_space<vmem>>[vector<16xi32>], vector<16xf32>,
      %mul3A_119 = arith.mulf %gather3A_118, %gather3A : vector<16xf32>
      tpu.vector_store_idx %arg9[%add3A_117], %mul3A_119 : memref<26624xf32, #tpu.memory_space<vmem>>[vector<16xi32>], vector<16xf32>,
      %mul3A_120 = arith.constant 16 : i32
      %mul3A_121 = vector.broadcast %mul3A_120 : i32 to vector<16xi32>
      %mul3A_122 = arith.muli %add3A_27, %mul3A_121 : vector<16xi32>
      %add3A_123 = arith.constant 11 : i32
      %add3A_124 = vector.broadcast %add3A_123 : i32 to vector<16xi32>
      %add3A_125 = arith.addi %mul3A_122, %add3A_124 : vector<16xi32>
      %gather3A_126 = tpu.vector_load_idx %arg9[%add3A_125] : memref<26624xf32, #tpu.memory_space<vmem>>[vector<16xi32>], vector<16xf32>,
      %mul3A_127 = arith.mulf %gather3A_126, %gather3A : vector<16xf32>
      tpu.vector_store_idx %arg9[%add3A_125], %mul3A_127 : memref<26624xf32, #tpu.memory_space<vmem>>[vector<16xi32>], vector<16xf32>,
      %mul3A_128 = arith.constant 16 : i32
      %mul3A_129 = vector.broadcast %mul3A_128 : i32 to vector<16xi32>
      %mul3A_130 = arith.muli %add3A_27, %mul3A_129 : vector<16xi32>
      %add3A_131 = arith.constant 12 : i32
      %add3A_132 = vector.broadcast %add3A_131 : i32 to vector<16xi32>
      %add3A_133 = arith.addi %mul3A_130, %add3A_132 : vector<16xi32>
      %gather3A_134 = tpu.vector_load_idx %arg9[%add3A_133] : memref<26624xf32, #tpu.memory_space<vmem>>[vector<16xi32>], vector<16xf32>,
      %mul3A_135 = arith.mulf %gather3A_134, %gather3A : vector<16xf32>
      tpu.vector_store_idx %arg9[%add3A_133], %mul3A_135 : memref<26624xf32, #tpu.memory_space<vmem>>[vector<16xi32>], vector<16xf32>,
      %mul3A_136 = arith.constant 16 : i32
      %mul3A_137 = vector.broadcast %mul3A_136 : i32 to vector<16xi32>
      %mul3A_138 = arith.muli %add3A_27, %mul3A_137 : vector<16xi32>
      %add3A_139 = arith.constant 13 : i32
      %add3A_140 = vector.broadcast %add3A_139 : i32 to vector<16xi32>
      %add3A_141 = arith.addi %mul3A_138, %add3A_140 : vector<16xi32>
      %gather3A_142 = tpu.vector_load_idx %arg9[%add3A_141] : memref<26624xf32, #tpu.memory_space<vmem>>[vector<16xi32>], vector<16xf32>,
      %mul3A_143 = arith.mulf %gather3A_142, %gather3A : vector<16xf32>
      tpu.vector_store_idx %arg9[%add3A_141], %mul3A_143 : memref<26624xf32, #tpu.memory_space<vmem>>[vector<16xi32>], vector<16xf32>,
      %mul3A_144 = arith.constant 16 : i32
      %mul3A_145 = vector.broadcast %mul3A_144 : i32 to vector<16xi32>
      %mul3A_146 = arith.muli %add3A_27, %mul3A_145 : vector<16xi32>
      %add3A_147 = arith.constant 14 : i32
      %add3A_148 = vector.broadcast %add3A_147 : i32 to vector<16xi32>
      %add3A_149 = arith.addi %mul3A_146, %add3A_148 : vector<16xi32>
      %gather3A_150 = tpu.vector_load_idx %arg9[%add3A_149] : memref<26624xf32, #tpu.memory_space<vmem>>[vector<16xi32>], vector<16xf32>,
      %mul3A_151 = arith.mulf %gather3A_150, %gather3A : vector<16xf32>
      tpu.vector_store_idx %arg9[%add3A_149], %mul3A_151 : memref<26624xf32, #tpu.memory_space<vmem>>[vector<16xi32>], vector<16xf32>,
      %mul3A_152 = arith.constant 16 : i32
      %mul3A_153 = vector.broadcast %mul3A_152 : i32 to vector<16xi32>
      %mul3A_154 = arith.muli %add3A_27, %mul3A_153 : vector<16xi32>
      %add3A_155 = arith.constant 15 : i32
      %add3A_156 = vector.broadcast %add3A_155 : i32 to vector<16xi32>
      %add3A_157 = arith.addi %mul3A_154, %add3A_156 : vector<16xi32>
      %gather3A_158 = tpu.vector_load_idx %arg9[%add3A_157] : memref<26624xf32, #tpu.memory_space<vmem>>[vector<16xi32>], vector<16xf32>,
      %mul3A_159 = arith.mulf %gather3A_158, %gather3A : vector<16xf32>
      tpu.vector_store_idx %arg9[%add3A_157], %mul3A_159 : memref<26624xf32, #tpu.memory_space<vmem>>[vector<16xi32>], vector<16xf32>,
      %scan3A_160 = arith.constant 0 : i32
      scf.yield %scan3A_160 : i32
    }
    %scan3A_19 = arith.constant 104 : i32
    %mul3A_20 = arith.constant 16 : i32
    %mul3A_21 = arith.muli %mul3A_2, %mul3A_20 : i32
    "tpu.region"() ({
      %run_scoped3A = tpu.sem_alloc : memref<!tpu.dma_semaphore, #tpu.memory_space<semaphore_mem>>
      %dma_start3A_22 = tpu.memref_slice %arg5[%mul3A_21] : memref<851968xf32, #tpu.memory_space<hbm>> -> memref<26624xf32, #tpu.memory_space<hbm>>
      %dma_start3A_23 = tpu.memref_slice %arg5[%mul3A_21] : memref<851968xf32, #tpu.memory_space<hbm>> -> memref<26624xf32, #tpu.memory_space<hbm>>
      tpu.enqueue_dma source(%arg9 : memref<26624xf32, #tpu.memory_space<vmem>>) target(%dma_start3A_23 : memref<26624xf32, #tpu.memory_space<hbm>>) target_semaphore(%run_scoped3A : memref<!tpu.dma_semaphore, #tpu.memory_space<semaphore_mem>>)
      %dma_wait3A_24 = tpu.memref_slice %arg5[%mul3A_21] : memref<851968xf32, #tpu.memory_space<hbm>> -> memref<26624xf32, #tpu.memory_space<hbm>>
      %dma_wait3A_25 = tpu.memref_slice %arg5[%mul3A_21] : memref<851968xf32, #tpu.memory_space<hbm>> -> memref<26624xf32, #tpu.memory_space<hbm>>
      tpu.wait_dma2 semaphore(%run_scoped3A : memref<!tpu.dma_semaphore, #tpu.memory_space<semaphore_mem>>) src(%arg9 : memref<26624xf32, #tpu.memory_space<vmem>>) dst(%dma_wait3A_25 : memref<26624xf32, #tpu.memory_space<hbm>>)
      tpu.yield
    }) : () -> ()
    return
  }
}

#map = affine_map<(d0, d1) -> (0)>
#map1 = affine_map<(d0, d1) -> (0, 0)>
module attributes {stable_mosaic.version = 14 : i64} {
  func.func @_sc_gather(%arg0: i32, %arg1: i32, %arg2: memref<53248xi32, #tpu.memory_space<hbm>>, %arg3: memref<13x4096xf32, #tpu.memory_space<hbm>>, %arg4: memref<20800000xf32, #tpu.memory_space<hbm>>, %arg5: memref<851968xf32, #tpu.memory_space<hbm>>, %arg6: memref<1664xi32, #tpu.memory_space<vmem>>, %arg7: memref<13x128xf32, #tpu.memory_space<vmem>>, %arg8: memref<26624xi32, #tpu.memory_space<vmem>>, %arg9: memref<26624xf32, #tpu.memory_space<vmem>>, %arg10: memref<!tpu.dma_semaphore, #tpu.memory_space<semaphore_mem>>) attributes {dimension_semantics = [#tpu.dimension_semantics<core_parallel>, #tpu.dimension_semantics<subcore_parallel>], iteration_bounds = array<i64: 2, 16>, scalar_prefetch = 0 : i64, scratch_operands = 5 : i64, tpu.core_type = #tpu.core_type<sc_vector_subcore>, window_params = [{transform_indices = #map}, {transform_indices = #map1}, {transform_indices = #map}, {transform_indices = #map}]} {
    %mul3A = arith.constant 2 : i32
    %mul3A_0 = arith.muli %arg1, %mul3A : i32
    %add3A = arith.addi %mul3A_0, %arg0 : i32
    %mul3A_1 = arith.constant 1664 : i32
    %mul3A_2 = arith.muli %add3A, %mul3A_1 : i32
    "tpu.region"() ({
      %run_scoped3A = tpu.sem_alloc : memref<!tpu.dma_semaphore, #tpu.memory_space<semaphore_mem>>
      %dma_start3A_22 = tpu.memref_slice %arg2[%mul3A_2] : memref<53248xi32, #tpu.memory_space<hbm>> -> memref<1664xi32, #tpu.memory_space<hbm>>
      %dma_start3A_23 = tpu.memref_slice %arg2[%mul3A_2] : memref<53248xi32, #tpu.memory_space<hbm>> -> memref<1664xi32, #tpu.memory_space<hbm>>
      tpu.enqueue_dma source(%dma_start3A_23 : memref<1664xi32, #tpu.memory_space<hbm>>) target(%arg6 : memref<1664xi32, #tpu.memory_space<vmem>>) target_semaphore(%run_scoped3A : memref<!tpu.dma_semaphore, #tpu.memory_space<semaphore_mem>>)
      %dma_wait3A_24 = tpu.memref_slice %arg2[%mul3A_2] : memref<53248xi32, #tpu.memory_space<hbm>> -> memref<1664xi32, #tpu.memory_space<hbm>>
      %dma_wait3A_25 = tpu.memref_slice %arg2[%mul3A_2] : memref<53248xi32, #tpu.memory_space<hbm>> -> memref<1664xi32, #tpu.memory_space<hbm>>
      tpu.wait_dma2 semaphore(%run_scoped3A : memref<!tpu.dma_semaphore, #tpu.memory_space<semaphore_mem>>) src(%dma_wait3A_25 : memref<1664xi32, #tpu.memory_space<hbm>>) dst(%arg6 : memref<1664xi32, #tpu.memory_space<vmem>>)
      tpu.yield
    }) : () -> ()
    %mul3A_3 = arith.constant 128 : i32
    %mul3A_4 = arith.muli %add3A, %mul3A_3 : i32
    "tpu.region"() ({
      %run_scoped3A = tpu.sem_alloc : memref<!tpu.dma_semaphore, #tpu.memory_space<semaphore_mem>>
      %dma_start3A_22 = arith.constant 0 : i32
      %dma_start3A_23 = tpu.memref_slice %arg3[%dma_start3A_22, %mul3A_4] : memref<13x4096xf32, #tpu.memory_space<hbm>> -> memref<13x128xf32, #tpu.memory_space<hbm>>
      %dma_start3A_24 = arith.constant 0 : i32
      %dma_start3A_25 = tpu.memref_slice %arg3[%dma_start3A_24, %mul3A_4] : memref<13x4096xf32, #tpu.memory_space<hbm>> -> memref<13x128xf32, #tpu.memory_space<hbm>>
      tpu.enqueue_dma source(%dma_start3A_25 : memref<13x128xf32, #tpu.memory_space<hbm>>) target(%arg7 : memref<13x128xf32, #tpu.memory_space<vmem>>) target_semaphore(%run_scoped3A : memref<!tpu.dma_semaphore, #tpu.memory_space<semaphore_mem>>)
      %dma_wait3A_26 = arith.constant 0 : i32
      %dma_wait3A_27 = tpu.memref_slice %arg3[%dma_wait3A_26, %mul3A_4] : memref<13x4096xf32, #tpu.memory_space<hbm>> -> memref<13x128xf32, #tpu.memory_space<hbm>>
      %dma_wait3A_28 = arith.constant 0 : i32
      %dma_wait3A_29 = tpu.memref_slice %arg3[%dma_wait3A_28, %mul3A_4] : memref<13x4096xf32, #tpu.memory_space<hbm>> -> memref<13x128xf32, #tpu.memory_space<hbm>>
      tpu.wait_dma2 semaphore(%run_scoped3A : memref<!tpu.dma_semaphore, #tpu.memory_space<semaphore_mem>>) src(%dma_wait3A_29 : memref<13x128xf32, #tpu.memory_space<hbm>>) dst(%arg7 : memref<13x128xf32, #tpu.memory_space<vmem>>)
      tpu.yield
    }) : () -> ()
    %iota3A = tpu.iota {dimensions = array<i32: 0>} : vector<16xi32>
    %scan3A = arith.constant 0 : i32
    %scan3A_5 = arith.constant 0 : i32
    %scan3A_6 = arith.constant 104 : i32
    %scan3A_7 = arith.addi %scan3A_5, %scan3A_6 : i32
    %scan3A_8 = arith.constant 1 : i32
    %scan3A_9 = scf.for %scan3A_22 = %scan3A_5 to %scan3A_7 step %scan3A_8 iter_args(%scan3A_23 = %scan3A) -> (i32)  : i32 {
      %mul3A_24 = arith.constant 16 : i32
      %mul3A_25 = arith.muli %scan3A_22, %mul3A_24 : i32
      %add3A_26 = vector.broadcast %mul3A_25 : i32 to vector<16xi32>
      %add3A_27 = arith.addi %add3A_26, %iota3A : vector<16xi32>
      %rem3A = arith.constant 13 : i32
      %rem3A_28 = vector.broadcast %rem3A : i32 to vector<16xi32>
      %rem3A_29 = arith.remsi %add3A_27, %rem3A_28 : vector<16xi32>
      %gather3A = tpu.vector_load_idx %arg6[%add3A_27] : memref<1664xi32, #tpu.memory_space<vmem>>[vector<16xi32>], vector<16xi32>,
      %mul3A_30 = arith.constant 1600000 : i32
      %mul3A_31 = vector.broadcast %mul3A_30 : i32 to vector<16xi32>
      %mul3A_32 = arith.muli %rem3A_29, %mul3A_31 : vector<16xi32>
      %add3A_33 = arith.addi %mul3A_32, %gather3A : vector<16xi32>
      %mul3A_34 = arith.constant 16 : i32
      %mul3A_35 = vector.broadcast %mul3A_34 : i32 to vector<16xi32>
      %mul3A_36 = arith.muli %add3A_27, %mul3A_35 : vector<16xi32>
      %add3A_37 = arith.constant 0 : i32
      %add3A_38 = vector.broadcast %add3A_37 : i32 to vector<16xi32>
      %add3A_39 = arith.addi %mul3A_36, %add3A_38 : vector<16xi32>
      %add3A_40 = arith.constant 0 : i32
      %add3A_41 = vector.broadcast %add3A_40 : i32 to vector<16xi32>
      %add3A_42 = arith.addi %add3A_33, %add3A_41 : vector<16xi32>
      tpu.vector_store_idx %arg8[%add3A_39], %add3A_42 : memref<26624xi32, #tpu.memory_space<vmem>>[vector<16xi32>], vector<16xi32>,
      %mul3A_43 = arith.constant 16 : i32
      %mul3A_44 = vector.broadcast %mul3A_43 : i32 to vector<16xi32>
      %mul3A_45 = arith.muli %add3A_27, %mul3A_44 : vector<16xi32>
      %add3A_46 = arith.constant 1 : i32
      %add3A_47 = vector.broadcast %add3A_46 : i32 to vector<16xi32>
      %add3A_48 = arith.addi %mul3A_45, %add3A_47 : vector<16xi32>
      %add3A_49 = arith.constant 100000 : i32
      %add3A_50 = vector.broadcast %add3A_49 : i32 to vector<16xi32>
      %add3A_51 = arith.addi %add3A_33, %add3A_50 : vector<16xi32>
      tpu.vector_store_idx %arg8[%add3A_48], %add3A_51 : memref<26624xi32, #tpu.memory_space<vmem>>[vector<16xi32>], vector<16xi32>,
      %mul3A_52 = arith.constant 16 : i32
      %mul3A_53 = vector.broadcast %mul3A_52 : i32 to vector<16xi32>
      %mul3A_54 = arith.muli %add3A_27, %mul3A_53 : vector<16xi32>
      %add3A_55 = arith.constant 2 : i32
      %add3A_56 = vector.broadcast %add3A_55 : i32 to vector<16xi32>
      %add3A_57 = arith.addi %mul3A_54, %add3A_56 : vector<16xi32>
      %add3A_58 = arith.constant 200000 : i32
      %add3A_59 = vector.broadcast %add3A_58 : i32 to vector<16xi32>
      %add3A_60 = arith.addi %add3A_33, %add3A_59 : vector<16xi32>
      tpu.vector_store_idx %arg8[%add3A_57], %add3A_60 : memref<26624xi32, #tpu.memory_space<vmem>>[vector<16xi32>], vector<16xi32>,
      %mul3A_61 = arith.constant 16 : i32
      %mul3A_62 = vector.broadcast %mul3A_61 : i32 to vector<16xi32>
      %mul3A_63 = arith.muli %add3A_27, %mul3A_62 : vector<16xi32>
      %add3A_64 = arith.constant 3 : i32
      %add3A_65 = vector.broadcast %add3A_64 : i32 to vector<16xi32>
      %add3A_66 = arith.addi %mul3A_63, %add3A_65 : vector<16xi32>
      %add3A_67 = arith.constant 300000 : i32
      %add3A_68 = vector.broadcast %add3A_67 : i32 to vector<16xi32>
      %add3A_69 = arith.addi %add3A_33, %add3A_68 : vector<16xi32>
      tpu.vector_store_idx %arg8[%add3A_66], %add3A_69 : memref<26624xi32, #tpu.memory_space<vmem>>[vector<16xi32>], vector<16xi32>,
      %mul3A_70 = arith.constant 16 : i32
      %mul3A_71 = vector.broadcast %mul3A_70 : i32 to vector<16xi32>
      %mul3A_72 = arith.muli %add3A_27, %mul3A_71 : vector<16xi32>
      %add3A_73 = arith.constant 4 : i32
      %add3A_74 = vector.broadcast %add3A_73 : i32 to vector<16xi32>
      %add3A_75 = arith.addi %mul3A_72, %add3A_74 : vector<16xi32>
      %add3A_76 = arith.constant 400000 : i32
      %add3A_77 = vector.broadcast %add3A_76 : i32 to vector<16xi32>
      %add3A_78 = arith.addi %add3A_33, %add3A_77 : vector<16xi32>
      tpu.vector_store_idx %arg8[%add3A_75], %add3A_78 : memref<26624xi32, #tpu.memory_space<vmem>>[vector<16xi32>], vector<16xi32>,
      %mul3A_79 = arith.constant 16 : i32
      %mul3A_80 = vector.broadcast %mul3A_79 : i32 to vector<16xi32>
      %mul3A_81 = arith.muli %add3A_27, %mul3A_80 : vector<16xi32>
      %add3A_82 = arith.constant 5 : i32
      %add3A_83 = vector.broadcast %add3A_82 : i32 to vector<16xi32>
      %add3A_84 = arith.addi %mul3A_81, %add3A_83 : vector<16xi32>
      %add3A_85 = arith.constant 500000 : i32
      %add3A_86 = vector.broadcast %add3A_85 : i32 to vector<16xi32>
      %add3A_87 = arith.addi %add3A_33, %add3A_86 : vector<16xi32>
      tpu.vector_store_idx %arg8[%add3A_84], %add3A_87 : memref<26624xi32, #tpu.memory_space<vmem>>[vector<16xi32>], vector<16xi32>,
      %mul3A_88 = arith.constant 16 : i32
      %mul3A_89 = vector.broadcast %mul3A_88 : i32 to vector<16xi32>
      %mul3A_90 = arith.muli %add3A_27, %mul3A_89 : vector<16xi32>
      %add3A_91 = arith.constant 6 : i32
      %add3A_92 = vector.broadcast %add3A_91 : i32 to vector<16xi32>
      %add3A_93 = arith.addi %mul3A_90, %add3A_92 : vector<16xi32>
      %add3A_94 = arith.constant 600000 : i32
      %add3A_95 = vector.broadcast %add3A_94 : i32 to vector<16xi32>
      %add3A_96 = arith.addi %add3A_33, %add3A_95 : vector<16xi32>
      tpu.vector_store_idx %arg8[%add3A_93], %add3A_96 : memref<26624xi32, #tpu.memory_space<vmem>>[vector<16xi32>], vector<16xi32>,
      %mul3A_97 = arith.constant 16 : i32
      %mul3A_98 = vector.broadcast %mul3A_97 : i32 to vector<16xi32>
      %mul3A_99 = arith.muli %add3A_27, %mul3A_98 : vector<16xi32>
      %add3A_100 = arith.constant 7 : i32
      %add3A_101 = vector.broadcast %add3A_100 : i32 to vector<16xi32>
      %add3A_102 = arith.addi %mul3A_99, %add3A_101 : vector<16xi32>
      %add3A_103 = arith.constant 700000 : i32
      %add3A_104 = vector.broadcast %add3A_103 : i32 to vector<16xi32>
      %add3A_105 = arith.addi %add3A_33, %add3A_104 : vector<16xi32>
      tpu.vector_store_idx %arg8[%add3A_102], %add3A_105 : memref<26624xi32, #tpu.memory_space<vmem>>[vector<16xi32>], vector<16xi32>,
      %mul3A_106 = arith.constant 16 : i32
      %mul3A_107 = vector.broadcast %mul3A_106 : i32 to vector<16xi32>
      %mul3A_108 = arith.muli %add3A_27, %mul3A_107 : vector<16xi32>
      %add3A_109 = arith.constant 8 : i32
      %add3A_110 = vector.broadcast %add3A_109 : i32 to vector<16xi32>
      %add3A_111 = arith.addi %mul3A_108, %add3A_110 : vector<16xi32>
      %add3A_112 = arith.constant 800000 : i32
      %add3A_113 = vector.broadcast %add3A_112 : i32 to vector<16xi32>
      %add3A_114 = arith.addi %add3A_33, %add3A_113 : vector<16xi32>
      tpu.vector_store_idx %arg8[%add3A_111], %add3A_114 : memref<26624xi32, #tpu.memory_space<vmem>>[vector<16xi32>], vector<16xi32>,
      %mul3A_115 = arith.constant 16 : i32
      %mul3A_116 = vector.broadcast %mul3A_115 : i32 to vector<16xi32>
      %mul3A_117 = arith.muli %add3A_27, %mul3A_116 : vector<16xi32>
      %add3A_118 = arith.constant 9 : i32
      %add3A_119 = vector.broadcast %add3A_118 : i32 to vector<16xi32>
      %add3A_120 = arith.addi %mul3A_117, %add3A_119 : vector<16xi32>
      %add3A_121 = arith.constant 900000 : i32
      %add3A_122 = vector.broadcast %add3A_121 : i32 to vector<16xi32>
      %add3A_123 = arith.addi %add3A_33, %add3A_122 : vector<16xi32>
      tpu.vector_store_idx %arg8[%add3A_120], %add3A_123 : memref<26624xi32, #tpu.memory_space<vmem>>[vector<16xi32>], vector<16xi32>,
      %mul3A_124 = arith.constant 16 : i32
      %mul3A_125 = vector.broadcast %mul3A_124 : i32 to vector<16xi32>
      %mul3A_126 = arith.muli %add3A_27, %mul3A_125 : vector<16xi32>
      %add3A_127 = arith.constant 10 : i32
      %add3A_128 = vector.broadcast %add3A_127 : i32 to vector<16xi32>
      %add3A_129 = arith.addi %mul3A_126, %add3A_128 : vector<16xi32>
      %add3A_130 = arith.constant 1000000 : i32
      %add3A_131 = vector.broadcast %add3A_130 : i32 to vector<16xi32>
      %add3A_132 = arith.addi %add3A_33, %add3A_131 : vector<16xi32>
      tpu.vector_store_idx %arg8[%add3A_129], %add3A_132 : memref<26624xi32, #tpu.memory_space<vmem>>[vector<16xi32>], vector<16xi32>,
      %mul3A_133 = arith.constant 16 : i32
      %mul3A_134 = vector.broadcast %mul3A_133 : i32 to vector<16xi32>
      %mul3A_135 = arith.muli %add3A_27, %mul3A_134 : vector<16xi32>
      %add3A_136 = arith.constant 11 : i32
      %add3A_137 = vector.broadcast %add3A_136 : i32 to vector<16xi32>
      %add3A_138 = arith.addi %mul3A_135, %add3A_137 : vector<16xi32>
      %add3A_139 = arith.constant 1100000 : i32
      %add3A_140 = vector.broadcast %add3A_139 : i32 to vector<16xi32>
      %add3A_141 = arith.addi %add3A_33, %add3A_140 : vector<16xi32>
      tpu.vector_store_idx %arg8[%add3A_138], %add3A_141 : memref<26624xi32, #tpu.memory_space<vmem>>[vector<16xi32>], vector<16xi32>,
      %mul3A_142 = arith.constant 16 : i32
      %mul3A_143 = vector.broadcast %mul3A_142 : i32 to vector<16xi32>
      %mul3A_144 = arith.muli %add3A_27, %mul3A_143 : vector<16xi32>
      %add3A_145 = arith.constant 12 : i32
      %add3A_146 = vector.broadcast %add3A_145 : i32 to vector<16xi32>
      %add3A_147 = arith.addi %mul3A_144, %add3A_146 : vector<16xi32>
      %add3A_148 = arith.constant 1200000 : i32
      %add3A_149 = vector.broadcast %add3A_148 : i32 to vector<16xi32>
      %add3A_150 = arith.addi %add3A_33, %add3A_149 : vector<16xi32>
      tpu.vector_store_idx %arg8[%add3A_147], %add3A_150 : memref<26624xi32, #tpu.memory_space<vmem>>[vector<16xi32>], vector<16xi32>,
      %mul3A_151 = arith.constant 16 : i32
      %mul3A_152 = vector.broadcast %mul3A_151 : i32 to vector<16xi32>
      %mul3A_153 = arith.muli %add3A_27, %mul3A_152 : vector<16xi32>
      %add3A_154 = arith.constant 13 : i32
      %add3A_155 = vector.broadcast %add3A_154 : i32 to vector<16xi32>
      %add3A_156 = arith.addi %mul3A_153, %add3A_155 : vector<16xi32>
      %add3A_157 = arith.constant 1300000 : i32
      %add3A_158 = vector.broadcast %add3A_157 : i32 to vector<16xi32>
      %add3A_159 = arith.addi %add3A_33, %add3A_158 : vector<16xi32>
      tpu.vector_store_idx %arg8[%add3A_156], %add3A_159 : memref<26624xi32, #tpu.memory_space<vmem>>[vector<16xi32>], vector<16xi32>,
      %mul3A_160 = arith.constant 16 : i32
      %mul3A_161 = vector.broadcast %mul3A_160 : i32 to vector<16xi32>
      %mul3A_162 = arith.muli %add3A_27, %mul3A_161 : vector<16xi32>
      %add3A_163 = arith.constant 14 : i32
      %add3A_164 = vector.broadcast %add3A_163 : i32 to vector<16xi32>
      %add3A_165 = arith.addi %mul3A_162, %add3A_164 : vector<16xi32>
      %add3A_166 = arith.constant 1400000 : i32
      %add3A_167 = vector.broadcast %add3A_166 : i32 to vector<16xi32>
      %add3A_168 = arith.addi %add3A_33, %add3A_167 : vector<16xi32>
      tpu.vector_store_idx %arg8[%add3A_165], %add3A_168 : memref<26624xi32, #tpu.memory_space<vmem>>[vector<16xi32>], vector<16xi32>,
      %mul3A_169 = arith.constant 16 : i32
      %mul3A_170 = vector.broadcast %mul3A_169 : i32 to vector<16xi32>
      %mul3A_171 = arith.muli %add3A_27, %mul3A_170 : vector<16xi32>
      %add3A_172 = arith.constant 15 : i32
      %add3A_173 = vector.broadcast %add3A_172 : i32 to vector<16xi32>
      %add3A_174 = arith.addi %mul3A_171, %add3A_173 : vector<16xi32>
      %add3A_175 = arith.constant 1500000 : i32
      %add3A_176 = vector.broadcast %add3A_175 : i32 to vector<16xi32>
      %add3A_177 = arith.addi %add3A_33, %add3A_176 : vector<16xi32>
      tpu.vector_store_idx %arg8[%add3A_174], %add3A_177 : memref<26624xi32, #tpu.memory_space<vmem>>[vector<16xi32>], vector<16xi32>,
      %scan3A_178 = arith.constant 0 : i32
      scf.yield %scan3A_178 : i32
    }
    %scan3A_10 = arith.constant 104 : i32
    %dma_start3A = arith.constant 0 : i32
    %dma_start3A_11 = tpu.memref_slice %arg4[%dma_start3A] : memref<20800000xf32, #tpu.memory_space<hbm>> -> memref<20800000xf32, #tpu.memory_space<hbm>>
    tpu.enqueue_indirect_dma source(%dma_start3A_11 : memref<20800000xf32, #tpu.memory_space<hbm>>) target(%arg9 : memref<26624xf32, #tpu.memory_space<vmem>>) offsets(%arg8 : memref<26624xi32, #tpu.memory_space<vmem>>) semaphore(%arg10 : memref<!tpu.dma_semaphore, #tpu.memory_space<semaphore_mem>>)
    %dma_wait3A = arith.constant 0 : i32
    %dma_wait3A_12 = tpu.memref_slice %arg4[%dma_wait3A] : memref<20800000xf32, #tpu.memory_space<hbm>> -> memref<20800000xf32, #tpu.memory_space<hbm>>
    tpu.wait_indirect_dma semaphore(%arg10 : memref<!tpu.dma_semaphore, #tpu.memory_space<semaphore_mem>>) src(%dma_wait3A_12 : memref<20800000xf32, #tpu.memory_space<hbm>>) dst(%arg9 : memref<26624xf32, #tpu.memory_space<vmem>>)
    %scan3A_13 = arith.constant 0 : i32
    %scan3A_14 = arith.constant 0 : i32
    %scan3A_15 = arith.constant 104 : i32
    %scan3A_16 = arith.addi %scan3A_14, %scan3A_15 : i32
    %scan3A_17 = arith.constant 1 : i32
    %scan3A_18 = scf.for %scan3A_22 = %scan3A_14 to %scan3A_16 step %scan3A_17 iter_args(%scan3A_23 = %scan3A_13) -> (i32)  : i32 {
      %mul3A_24 = arith.constant 16 : i32
      %mul3A_25 = arith.muli %scan3A_22, %mul3A_24 : i32
      %add3A_26 = vector.broadcast %mul3A_25 : i32 to vector<16xi32>
      %add3A_27 = arith.addi %add3A_26, %iota3A : vector<16xi32>
      %rem3A = arith.constant 13 : i32
      %rem3A_28 = vector.broadcast %rem3A : i32 to vector<16xi32>
      %rem3A_29 = arith.remsi %add3A_27, %rem3A_28 : vector<16xi32>
      %div3A = arith.constant 13 : i32
      %div3A_30 = vector.broadcast %div3A : i32 to vector<16xi32>
      %div3A_31 = arith.divsi %add3A_27, %div3A_30 : vector<16xi32>
      %gather3A = tpu.vector_load_idx %arg7[%rem3A_29, %div3A_31] : memref<13x128xf32, #tpu.memory_space<vmem>>[vector<16xi32>, vector<16xi32>], vector<16xf32>,
      %mul3A_32 = arith.constant 16 : i32
      %mul3A_33 = vector.broadcast %mul3A_32 : i32 to vector<16xi32>
      %mul3A_34 = arith.muli %add3A_27, %mul3A_33 : vector<16xi32>
      %add3A_35 = arith.constant 0 : i32
      %add3A_36 = vector.broadcast %add3A_35 : i32 to vector<16xi32>
      %add3A_37 = arith.addi %mul3A_34, %add3A_36 : vector<16xi32>
      %gather3A_38 = tpu.vector_load_idx %arg9[%add3A_37] : memref<26624xf32, #tpu.memory_space<vmem>>[vector<16xi32>], vector<16xf32>,
      %mul3A_39 = arith.mulf %gather3A_38, %gather3A : vector<16xf32>
      tpu.vector_store_idx %arg9[%add3A_37], %mul3A_39 : memref<26624xf32, #tpu.memory_space<vmem>>[vector<16xi32>], vector<16xf32>,
      %mul3A_40 = arith.constant 16 : i32
      %mul3A_41 = vector.broadcast %mul3A_40 : i32 to vector<16xi32>
      %mul3A_42 = arith.muli %add3A_27, %mul3A_41 : vector<16xi32>
      %add3A_43 = arith.constant 1 : i32
      %add3A_44 = vector.broadcast %add3A_43 : i32 to vector<16xi32>
      %add3A_45 = arith.addi %mul3A_42, %add3A_44 : vector<16xi32>
      %gather3A_46 = tpu.vector_load_idx %arg9[%add3A_45] : memref<26624xf32, #tpu.memory_space<vmem>>[vector<16xi32>], vector<16xf32>,
      %mul3A_47 = arith.mulf %gather3A_46, %gather3A : vector<16xf32>
      tpu.vector_store_idx %arg9[%add3A_45], %mul3A_47 : memref<26624xf32, #tpu.memory_space<vmem>>[vector<16xi32>], vector<16xf32>,
      %mul3A_48 = arith.constant 16 : i32
      %mul3A_49 = vector.broadcast %mul3A_48 : i32 to vector<16xi32>
      %mul3A_50 = arith.muli %add3A_27, %mul3A_49 : vector<16xi32>
      %add3A_51 = arith.constant 2 : i32
      %add3A_52 = vector.broadcast %add3A_51 : i32 to vector<16xi32>
      %add3A_53 = arith.addi %mul3A_50, %add3A_52 : vector<16xi32>
      %gather3A_54 = tpu.vector_load_idx %arg9[%add3A_53] : memref<26624xf32, #tpu.memory_space<vmem>>[vector<16xi32>], vector<16xf32>,
      %mul3A_55 = arith.mulf %gather3A_54, %gather3A : vector<16xf32>
      tpu.vector_store_idx %arg9[%add3A_53], %mul3A_55 : memref<26624xf32, #tpu.memory_space<vmem>>[vector<16xi32>], vector<16xf32>,
      %mul3A_56 = arith.constant 16 : i32
      %mul3A_57 = vector.broadcast %mul3A_56 : i32 to vector<16xi32>
      %mul3A_58 = arith.muli %add3A_27, %mul3A_57 : vector<16xi32>
      %add3A_59 = arith.constant 3 : i32
      %add3A_60 = vector.broadcast %add3A_59 : i32 to vector<16xi32>
      %add3A_61 = arith.addi %mul3A_58, %add3A_60 : vector<16xi32>
      %gather3A_62 = tpu.vector_load_idx %arg9[%add3A_61] : memref<26624xf32, #tpu.memory_space<vmem>>[vector<16xi32>], vector<16xf32>,
      %mul3A_63 = arith.mulf %gather3A_62, %gather3A : vector<16xf32>
      tpu.vector_store_idx %arg9[%add3A_61], %mul3A_63 : memref<26624xf32, #tpu.memory_space<vmem>>[vector<16xi32>], vector<16xf32>,
      %mul3A_64 = arith.constant 16 : i32
      %mul3A_65 = vector.broadcast %mul3A_64 : i32 to vector<16xi32>
      %mul3A_66 = arith.muli %add3A_27, %mul3A_65 : vector<16xi32>
      %add3A_67 = arith.constant 4 : i32
      %add3A_68 = vector.broadcast %add3A_67 : i32 to vector<16xi32>
      %add3A_69 = arith.addi %mul3A_66, %add3A_68 : vector<16xi32>
      %gather3A_70 = tpu.vector_load_idx %arg9[%add3A_69] : memref<26624xf32, #tpu.memory_space<vmem>>[vector<16xi32>], vector<16xf32>,
      %mul3A_71 = arith.mulf %gather3A_70, %gather3A : vector<16xf32>
      tpu.vector_store_idx %arg9[%add3A_69], %mul3A_71 : memref<26624xf32, #tpu.memory_space<vmem>>[vector<16xi32>], vector<16xf32>,
      %mul3A_72 = arith.constant 16 : i32
      %mul3A_73 = vector.broadcast %mul3A_72 : i32 to vector<16xi32>
      %mul3A_74 = arith.muli %add3A_27, %mul3A_73 : vector<16xi32>
      %add3A_75 = arith.constant 5 : i32
      %add3A_76 = vector.broadcast %add3A_75 : i32 to vector<16xi32>
      %add3A_77 = arith.addi %mul3A_74, %add3A_76 : vector<16xi32>
      %gather3A_78 = tpu.vector_load_idx %arg9[%add3A_77] : memref<26624xf32, #tpu.memory_space<vmem>>[vector<16xi32>], vector<16xf32>,
      %mul3A_79 = arith.mulf %gather3A_78, %gather3A : vector<16xf32>
      tpu.vector_store_idx %arg9[%add3A_77], %mul3A_79 : memref<26624xf32, #tpu.memory_space<vmem>>[vector<16xi32>], vector<16xf32>,
      %mul3A_80 = arith.constant 16 : i32
      %mul3A_81 = vector.broadcast %mul3A_80 : i32 to vector<16xi32>
      %mul3A_82 = arith.muli %add3A_27, %mul3A_81 : vector<16xi32>
      %add3A_83 = arith.constant 6 : i32
      %add3A_84 = vector.broadcast %add3A_83 : i32 to vector<16xi32>
      %add3A_85 = arith.addi %mul3A_82, %add3A_84 : vector<16xi32>
      %gather3A_86 = tpu.vector_load_idx %arg9[%add3A_85] : memref<26624xf32, #tpu.memory_space<vmem>>[vector<16xi32>], vector<16xf32>,
      %mul3A_87 = arith.mulf %gather3A_86, %gather3A : vector<16xf32>
      tpu.vector_store_idx %arg9[%add3A_85], %mul3A_87 : memref<26624xf32, #tpu.memory_space<vmem>>[vector<16xi32>], vector<16xf32>,
      %mul3A_88 = arith.constant 16 : i32
      %mul3A_89 = vector.broadcast %mul3A_88 : i32 to vector<16xi32>
      %mul3A_90 = arith.muli %add3A_27, %mul3A_89 : vector<16xi32>
      %add3A_91 = arith.constant 7 : i32
      %add3A_92 = vector.broadcast %add3A_91 : i32 to vector<16xi32>
      %add3A_93 = arith.addi %mul3A_90, %add3A_92 : vector<16xi32>
      %gather3A_94 = tpu.vector_load_idx %arg9[%add3A_93] : memref<26624xf32, #tpu.memory_space<vmem>>[vector<16xi32>], vector<16xf32>,
      %mul3A_95 = arith.mulf %gather3A_94, %gather3A : vector<16xf32>
      tpu.vector_store_idx %arg9[%add3A_93], %mul3A_95 : memref<26624xf32, #tpu.memory_space<vmem>>[vector<16xi32>], vector<16xf32>,
      %mul3A_96 = arith.constant 16 : i32
      %mul3A_97 = vector.broadcast %mul3A_96 : i32 to vector<16xi32>
      %mul3A_98 = arith.muli %add3A_27, %mul3A_97 : vector<16xi32>
      %add3A_99 = arith.constant 8 : i32
      %add3A_100 = vector.broadcast %add3A_99 : i32 to vector<16xi32>
      %add3A_101 = arith.addi %mul3A_98, %add3A_100 : vector<16xi32>
      %gather3A_102 = tpu.vector_load_idx %arg9[%add3A_101] : memref<26624xf32, #tpu.memory_space<vmem>>[vector<16xi32>], vector<16xf32>,
      %mul3A_103 = arith.mulf %gather3A_102, %gather3A : vector<16xf32>
      tpu.vector_store_idx %arg9[%add3A_101], %mul3A_103 : memref<26624xf32, #tpu.memory_space<vmem>>[vector<16xi32>], vector<16xf32>,
      %mul3A_104 = arith.constant 16 : i32
      %mul3A_105 = vector.broadcast %mul3A_104 : i32 to vector<16xi32>
      %mul3A_106 = arith.muli %add3A_27, %mul3A_105 : vector<16xi32>
      %add3A_107 = arith.constant 9 : i32
      %add3A_108 = vector.broadcast %add3A_107 : i32 to vector<16xi32>
      %add3A_109 = arith.addi %mul3A_106, %add3A_108 : vector<16xi32>
      %gather3A_110 = tpu.vector_load_idx %arg9[%add3A_109] : memref<26624xf32, #tpu.memory_space<vmem>>[vector<16xi32>], vector<16xf32>,
      %mul3A_111 = arith.mulf %gather3A_110, %gather3A : vector<16xf32>
      tpu.vector_store_idx %arg9[%add3A_109], %mul3A_111 : memref<26624xf32, #tpu.memory_space<vmem>>[vector<16xi32>], vector<16xf32>,
      %mul3A_112 = arith.constant 16 : i32
      %mul3A_113 = vector.broadcast %mul3A_112 : i32 to vector<16xi32>
      %mul3A_114 = arith.muli %add3A_27, %mul3A_113 : vector<16xi32>
      %add3A_115 = arith.constant 10 : i32
      %add3A_116 = vector.broadcast %add3A_115 : i32 to vector<16xi32>
      %add3A_117 = arith.addi %mul3A_114, %add3A_116 : vector<16xi32>
      %gather3A_118 = tpu.vector_load_idx %arg9[%add3A_117] : memref<26624xf32, #tpu.memory_space<vmem>>[vector<16xi32>], vector<16xf32>,
      %mul3A_119 = arith.mulf %gather3A_118, %gather3A : vector<16xf32>
      tpu.vector_store_idx %arg9[%add3A_117], %mul3A_119 : memref<26624xf32, #tpu.memory_space<vmem>>[vector<16xi32>], vector<16xf32>,
      %mul3A_120 = arith.constant 16 : i32
      %mul3A_121 = vector.broadcast %mul3A_120 : i32 to vector<16xi32>
      %mul3A_122 = arith.muli %add3A_27, %mul3A_121 : vector<16xi32>
      %add3A_123 = arith.constant 11 : i32
      %add3A_124 = vector.broadcast %add3A_123 : i32 to vector<16xi32>
      %add3A_125 = arith.addi %mul3A_122, %add3A_124 : vector<16xi32>
      %gather3A_126 = tpu.vector_load_idx %arg9[%add3A_125] : memref<26624xf32, #tpu.memory_space<vmem>>[vector<16xi32>], vector<16xf32>,
      %mul3A_127 = arith.mulf %gather3A_126, %gather3A : vector<16xf32>
      tpu.vector_store_idx %arg9[%add3A_125], %mul3A_127 : memref<26624xf32, #tpu.memory_space<vmem>>[vector<16xi32>], vector<16xf32>,
      %mul3A_128 = arith.constant 16 : i32
      %mul3A_129 = vector.broadcast %mul3A_128 : i32 to vector<16xi32>
      %mul3A_130 = arith.muli %add3A_27, %mul3A_129 : vector<16xi32>
      %add3A_131 = arith.constant 12 : i32
      %add3A_132 = vector.broadcast %add3A_131 : i32 to vector<16xi32>
      %add3A_133 = arith.addi %mul3A_130, %add3A_132 : vector<16xi32>
      %gather3A_134 = tpu.vector_load_idx %arg9[%add3A_133] : memref<26624xf32, #tpu.memory_space<vmem>>[vector<16xi32>], vector<16xf32>,
      %mul3A_135 = arith.mulf %gather3A_134, %gather3A : vector<16xf32>
      tpu.vector_store_idx %arg9[%add3A_133], %mul3A_135 : memref<26624xf32, #tpu.memory_space<vmem>>[vector<16xi32>], vector<16xf32>,
      %mul3A_136 = arith.constant 16 : i32
      %mul3A_137 = vector.broadcast %mul3A_136 : i32 to vector<16xi32>
      %mul3A_138 = arith.muli %add3A_27, %mul3A_137 : vector<16xi32>
      %add3A_139 = arith.constant 13 : i32
      %add3A_140 = vector.broadcast %add3A_139 : i32 to vector<16xi32>
      %add3A_141 = arith.addi %mul3A_138, %add3A_140 : vector<16xi32>
      %gather3A_142 = tpu.vector_load_idx %arg9[%add3A_141] : memref<26624xf32, #tpu.memory_space<vmem>>[vector<16xi32>], vector<16xf32>,
      %mul3A_143 = arith.mulf %gather3A_142, %gather3A : vector<16xf32>
      tpu.vector_store_idx %arg9[%add3A_141], %mul3A_143 : memref<26624xf32, #tpu.memory_space<vmem>>[vector<16xi32>], vector<16xf32>,
      %mul3A_144 = arith.constant 16 : i32
      %mul3A_145 = vector.broadcast %mul3A_144 : i32 to vector<16xi32>
      %mul3A_146 = arith.muli %add3A_27, %mul3A_145 : vector<16xi32>
      %add3A_147 = arith.constant 14 : i32
      %add3A_148 = vector.broadcast %add3A_147 : i32 to vector<16xi32>
      %add3A_149 = arith.addi %mul3A_146, %add3A_148 : vector<16xi32>
      %gather3A_150 = tpu.vector_load_idx %arg9[%add3A_149] : memref<26624xf32, #tpu.memory_space<vmem>>[vector<16xi32>], vector<16xf32>,
      %mul3A_151 = arith.mulf %gather3A_150, %gather3A : vector<16xf32>
      tpu.vector_store_idx %arg9[%add3A_149], %mul3A_151 : memref<26624xf32, #tpu.memory_space<vmem>>[vector<16xi32>], vector<16xf32>,
      %mul3A_152 = arith.constant 16 : i32
      %mul3A_153 = vector.broadcast %mul3A_152 : i32 to vector<16xi32>
      %mul3A_154 = arith.muli %add3A_27, %mul3A_153 : vector<16xi32>
      %add3A_155 = arith.constant 15 : i32
      %add3A_156 = vector.broadcast %add3A_155 : i32 to vector<16xi32>
      %add3A_157 = arith.addi %mul3A_154, %add3A_156 : vector<16xi32>
      %gather3A_158 = tpu.vector_load_idx %arg9[%add3A_157] : memref<26624xf32, #tpu.memory_space<vmem>>[vector<16xi32>], vector<16xf32>,
      %mul3A_159 = arith.mulf %gather3A_158, %gather3A : vector<16xf32>
      tpu.vector_store_idx %arg9[%add3A_157], %mul3A_159 : memref<26624xf32, #tpu.memory_space<vmem>>[vector<16xi32>], vector<16xf32>,
      %scan3A_160 = arith.constant 0 : i32
      scf.yield %scan3A_160 : i32
    }
    %scan3A_19 = arith.constant 104 : i32
    %mul3A_20 = arith.constant 16 : i32
    %mul3A_21 = arith.muli %mul3A_2, %mul3A_20 : i32
    "tpu.region"() ({
      %run_scoped3A = tpu.sem_alloc : memref<!tpu.dma_semaphore, #tpu.memory_space<semaphore_mem>>
      %dma_start3A_22 = tpu.memref_slice %arg5[%mul3A_21] : memref<851968xf32, #tpu.memory_space<hbm>> -> memref<26624xf32, #tpu.memory_space<hbm>>
      %dma_start3A_23 = tpu.memref_slice %arg5[%mul3A_21] : memref<851968xf32, #tpu.memory_space<hbm>> -> memref<26624xf32, #tpu.memory_space<hbm>>
      tpu.enqueue_dma source(%arg9 : memref<26624xf32, #tpu.memory_space<vmem>>) target(%dma_start3A_23 : memref<26624xf32, #tpu.memory_space<hbm>>) target_semaphore(%run_scoped3A : memref<!tpu.dma_semaphore, #tpu.memory_space<semaphore_mem>>)
      %dma_wait3A_24 = tpu.memref_slice %arg5[%mul3A_21] : memref<851968xf32, #tpu.memory_space<hbm>> -> memref<26624xf32, #tpu.memory_space<hbm>>
      %dma_wait3A_25 = tpu.memref_slice %arg5[%mul3A_21] : memref<851968xf32, #tpu.memory_space<hbm>> -> memref<26624xf32, #tpu.memory_space<hbm>>
      tpu.wait_dma2 semaphore(%run_scoped3A : memref<!tpu.dma_semaphore, #tpu.memory_space<semaphore_mem>>) src(%arg9 : memref<26624xf32, #tpu.memory_space<vmem>>) dst(%dma_wait3A_25 : memref<26624xf32, #tpu.memory_space<hbm>>)
      tpu.yield
    }) : () -> ()
    return
  }
}

module attributes {stable_mosaic.version = 14 : i64} {
  func.func @_tc_body(%arg0: memref<4096x208xf32, #tpu.memory_space<vmem>>, %arg1: memref<4096x208xf32, #tpu.memory_space<vmem>>, %arg2: memref<4096x208xf32, #tpu.memory_space<vmem>>, %arg3: memref<4096x208xf32, #tpu.memory_space<vmem>>, %arg4: memref<4096x208xf32, #tpu.memory_space<vmem>>, %arg5: memref<4096x208xf32, #tpu.memory_space<vmem>>, %arg6: memref<4096x208xf32, #tpu.memory_space<vmem>>, %arg7: memref<1x208xf32, #tpu.memory_space<vmem>>, %arg8: memref<1x208xf32, #tpu.memory_space<vmem>>, %arg9: memref<208x512xf32, #tpu.memory_space<vmem>>, %arg10: memref<208x512xf32, #tpu.memory_space<vmem>>, %arg11: memref<1x512xf32, #tpu.memory_space<vmem>>, %arg12: memref<1x512xf32, #tpu.memory_space<vmem>>, %arg13: memref<1x512xf32, #tpu.memory_space<vmem>>, %arg14: memref<512x256xf32, #tpu.memory_space<vmem>>, %arg15: memref<1x256xf32, #tpu.memory_space<vmem>>, %arg16: memref<1x256xf32, #tpu.memory_space<vmem>>, %arg17: memref<1x256xf32, #tpu.memory_space<vmem>>, %arg18: memref<208x16xf32, #tpu.memory_space<vmem>>, %arg19: memref<4096x1xf32, #tpu.memory_space<vmem>>, %arg20: memref<4096x1xf32, #tpu.memory_space<vmem>>) attributes {dimension_semantics = [], scalar_prefetch = 0 : i64, scratch_operands = 0 : i64, tpu.core_type = #tpu.core_type<tc>} {
    %get3A = arith.constant 0 : index
    %get3A_0 = arith.constant 0 : index
    %get3A_1 = vector.load %arg0[%get3A, %get3A_0] : memref<4096x208xf32, #tpu.memory_space<vmem>>, vector<4096x208xf32>
    %reduce_sum3A = arith.constant dense<0.000000e+00> : vector<4096xf32>
    %reduce_sum3A_2 = vector.multi_reduction <add>, %get3A_1, %reduce_sum3A [1] : vector<4096x208xf32> to vector<4096xf32>
    %broadcast_in_dim3A = vector.shape_cast %reduce_sum3A_2 : vector<4096xf32> to vector<4096x1xf32>
    %get3A_3 = arith.constant 0 : index
    %get3A_4 = arith.constant 0 : index
    %get3A_5 = vector.load %arg3[%get3A_3, %get3A_4] : memref<4096x208xf32, #tpu.memory_space<vmem>>, vector<4096x208xf32>
    %get3A_6 = arith.constant 0 : index
    %get3A_7 = arith.constant 0 : index
    %get3A_8 = vector.load %arg4[%get3A_6, %get3A_7] : memref<4096x208xf32, #tpu.memory_space<vmem>>, vector<4096x208xf32>
    %mul3A = arith.mulf %get3A_5, %get3A_8 : vector<4096x208xf32>
    %get3A_9 = arith.constant 0 : index
    %get3A_10 = arith.constant 0 : index
    %get3A_11 = vector.load %arg5[%get3A_9, %get3A_10] : memref<4096x208xf32, #tpu.memory_space<vmem>>, vector<4096x208xf32>
    %add3A = arith.addf %mul3A, %get3A_11 : vector<4096x208xf32>
    %get3A_12 = arith.constant 0 : index
    %get3A_13 = arith.constant 0 : index
    %get3A_14 = vector.load %arg6[%get3A_12, %get3A_13] : memref<4096x208xf32, #tpu.memory_space<vmem>>, vector<4096x208xf32>
    %mul3A_15 = arith.mulf %add3A, %get3A_14 : vector<4096x208xf32>
    %reduce_sum3A_16 = arith.constant dense<0.000000e+00> : vector<4096xf32>
    %reduce_sum3A_17 = vector.multi_reduction <add>, %mul3A_15, %reduce_sum3A_16 [1] : vector<4096x208xf32> to vector<4096xf32>
    %broadcast_in_dim3A_18 = vector.shape_cast %reduce_sum3A_17 : vector<4096xf32> to vector<4096x1xf32>
    %add3A_19 = arith.addf %broadcast_in_dim3A, %broadcast_in_dim3A_18 : vector<4096x1xf32>
    %get3A_20 = arith.constant 0 : index
    %get3A_21 = arith.constant 0 : index
    %get3A_22 = vector.load %arg2[%get3A_20, %get3A_21] : memref<4096x208xf32, #tpu.memory_space<vmem>>, vector<4096x208xf32>
    %get3A_23 = arith.constant 0 : index
    %get3A_24 = arith.constant 0 : index
    %get3A_25 = vector.load %arg7[%get3A_23, %get3A_24] : memref<1x208xf32, #tpu.memory_space<vmem>>, vector<1x208xf32>
    %mul3A_26 = vector.broadcast %get3A_25 : vector<1x208xf32> to vector<4096x208xf32>
    %mul3A_27 = arith.mulf %get3A_22, %mul3A_26 : vector<4096x208xf32>
    %get3A_28 = arith.constant 0 : index
    %get3A_29 = arith.constant 0 : index
    %get3A_30 = vector.load %arg8[%get3A_28, %get3A_29] : memref<1x208xf32, #tpu.memory_space<vmem>>, vector<1x208xf32>
    %add3A_31 = vector.broadcast %get3A_30 : vector<1x208xf32> to vector<4096x208xf32>
    %add3A_32 = arith.addf %mul3A_27, %add3A_31 : vector<4096x208xf32>
    %get3A_33 = arith.constant 0 : index
    %get3A_34 = arith.constant 0 : index
    %get3A_35 = vector.load %arg1[%get3A_33, %get3A_34] : memref<4096x208xf32, #tpu.memory_space<vmem>>, vector<4096x208xf32>
    %add3A_36 = arith.addf %add3A_32, %get3A_35 : vector<4096x208xf32>
    %get3A_37 = arith.constant 0 : index
    %get3A_38 = arith.constant 0 : index
    %get3A_39 = vector.load %arg18[%get3A_37, %get3A_38] : memref<208x16xf32, #tpu.memory_space<vmem>>, vector<208x16xf32>
    %dot_general3A = arith.constant dense<0.000000e+00> : vector<4096x16xf32>
    %dot_general3A_40 = tpu.matmul %add3A_36, %get3A_39, %dot_general3A {dimension_numbers = #tpu.dot_dimension_numbers<[1], [0], [0], [1], [0, 0, 1, 1], [], []>, transpose_lhs_hint = false} : vector<4096x208xf32>, vector<208x16xf32>, vector<4096x16xf32> -> vector<4096x16xf32>
    %mul3A_41 = arith.mulf %dot_general3A_40, %dot_general3A_40 : vector<4096x16xf32>
    %reduce_sum3A_42 = arith.constant dense<0.000000e+00> : vector<4096xf32>
    %reduce_sum3A_43 = vector.multi_reduction <add>, %mul3A_41, %reduce_sum3A_42 [1] : vector<4096x16xf32> to vector<4096xf32>
    %broadcast_in_dim3A_44 = vector.shape_cast %reduce_sum3A_43 : vector<4096xf32> to vector<4096x1xf32>
    %mul3A_45 = arith.mulf %add3A_32, %add3A_32 : vector<4096x208xf32>
    %mul3A_46 = arith.mulf %get3A_35, %get3A_35 : vector<4096x208xf32>
    %add3A_47 = arith.addf %mul3A_45, %mul3A_46 : vector<4096x208xf32>
    %reduce_sum3A_48 = arith.constant dense<0.000000e+00> : vector<4096xf32>
    %reduce_sum3A_49 = vector.multi_reduction <add>, %add3A_47, %reduce_sum3A_48 [1] : vector<4096x208xf32> to vector<4096xf32>
    %broadcast_in_dim3A_50 = vector.shape_cast %reduce_sum3A_49 : vector<4096xf32> to vector<4096x1xf32>
    %sub3A = arith.subf %broadcast_in_dim3A_44, %broadcast_in_dim3A_50 : vector<4096x1xf32>
    %mul3A_51 = arith.constant 5.000000e-01 : f32
    %mul3A_52 = vector.broadcast %mul3A_51 : f32 to vector<4096x1xf32>
    %mul3A_53 = arith.mulf %mul3A_52, %sub3A : vector<4096x1xf32>
    %get3A_54 = arith.constant 0 : index
    %get3A_55 = arith.constant 0 : index
    %get3A_56 = vector.load %arg9[%get3A_54, %get3A_55] : memref<208x512xf32, #tpu.memory_space<vmem>>, vector<208x512xf32>
    %dot_general3A_57 = arith.constant dense<0.000000e+00> : vector<4096x512xf32>
    %dot_general3A_58 = tpu.matmul %add3A_32, %get3A_56, %dot_general3A_57 {dimension_numbers = #tpu.dot_dimension_numbers<[1], [0], [0], [1], [0, 0, 1, 1], [], []>, transpose_lhs_hint = false} : vector<4096x208xf32>, vector<208x512xf32>, vector<4096x512xf32> -> vector<4096x512xf32>
    %get3A_59 = arith.constant 0 : index
    %get3A_60 = arith.constant 0 : index
    %get3A_61 = vector.load %arg10[%get3A_59, %get3A_60] : memref<208x512xf32, #tpu.memory_space<vmem>>, vector<208x512xf32>
    %dot_general3A_62 = arith.constant dense<0.000000e+00> : vector<4096x512xf32>
    %dot_general3A_63 = tpu.matmul %get3A_35, %get3A_61, %dot_general3A_62 {dimension_numbers = #tpu.dot_dimension_numbers<[1], [0], [0], [1], [0, 0, 1, 1], [], []>, transpose_lhs_hint = false} : vector<4096x208xf32>, vector<208x512xf32>, vector<4096x512xf32> -> vector<4096x512xf32>
    %add3A_64 = arith.addf %dot_general3A_58, %dot_general3A_63 : vector<4096x512xf32>
    %get3A_65 = arith.constant 0 : index
    %get3A_66 = arith.constant 0 : index
    %get3A_67 = vector.load %arg11[%get3A_65, %get3A_66] : memref<1x512xf32, #tpu.memory_space<vmem>>, vector<1x512xf32>
    %add3A_68 = vector.broadcast %get3A_67 : vector<1x512xf32> to vector<4096x512xf32>
    %add3A_69 = arith.addf %add3A_64, %add3A_68 : vector<4096x512xf32>
    %reduce_sum3A_70 = arith.constant dense<0.000000e+00> : vector<512xf32>
    %reduce_sum3A_71 = vector.multi_reduction <add>, %add3A_69, %reduce_sum3A_70 [0] : vector<4096x512xf32> to vector<512xf32>
    %broadcast_in_dim3A_72 = vector.shape_cast %reduce_sum3A_71 : vector<512xf32> to vector<1x512xf32>
    %div3A = arith.constant 4.096000e+03 : f32
    %div3A_73 = vector.broadcast %div3A : f32 to vector<1x512xf32>
    %div3A_74 = arith.divf %broadcast_in_dim3A_72, %div3A_73 : vector<1x512xf32>
    %sub3A_75 = vector.broadcast %div3A_74 : vector<1x512xf32> to vector<4096x512xf32>
    %sub3A_76 = arith.subf %add3A_69, %sub3A_75 : vector<4096x512xf32>
    %mul3A_77 = arith.mulf %sub3A_76, %sub3A_76 : vector<4096x512xf32>
    %reduce_sum3A_78 = arith.constant dense<0.000000e+00> : vector<512xf32>
    %reduce_sum3A_79 = vector.multi_reduction <add>, %mul3A_77, %reduce_sum3A_78 [0] : vector<4096x512xf32> to vector<512xf32>
    %broadcast_in_dim3A_80 = vector.shape_cast %reduce_sum3A_79 : vector<512xf32> to vector<1x512xf32>
    %div3A_81 = arith.constant 4.096000e+03 : f32
    %div3A_82 = vector.broadcast %div3A_81 : f32 to vector<1x512xf32>
    %div3A_83 = arith.divf %broadcast_in_dim3A_80, %div3A_82 : vector<1x512xf32>
    %add3A_84 = arith.constant 9.99999974E-6 : f32
    %add3A_85 = vector.broadcast %add3A_84 : f32 to vector<1x512xf32>
    %add3A_86 = arith.addf %div3A_83, %add3A_85 : vector<1x512xf32>
    %rsqrt3A = math.rsqrt %add3A_86 : vector<1x512xf32>
    %mul3A_87 = vector.broadcast %rsqrt3A : vector<1x512xf32> to vector<4096x512xf32>
    %mul3A_88 = arith.mulf %sub3A_76, %mul3A_87 : vector<4096x512xf32>
    %get3A_89 = arith.constant 0 : index
    %get3A_90 = arith.constant 0 : index
    %get3A_91 = vector.load %arg12[%get3A_89, %get3A_90] : memref<1x512xf32, #tpu.memory_space<vmem>>, vector<1x512xf32>
    %mul3A_92 = vector.broadcast %get3A_91 : vector<1x512xf32> to vector<4096x512xf32>
    %mul3A_93 = arith.mulf %mul3A_88, %mul3A_92 : vector<4096x512xf32>
    %get3A_94 = arith.constant 0 : index
    %get3A_95 = arith.constant 0 : index
    %get3A_96 = vector.load %arg13[%get3A_94, %get3A_95] : memref<1x512xf32, #tpu.memory_space<vmem>>, vector<1x512xf32>
    %add3A_97 = vector.broadcast %get3A_96 : vector<1x512xf32> to vector<4096x512xf32>
    %add3A_98 = arith.addf %mul3A_93, %add3A_97 : vector<4096x512xf32>
    %get3A_99 = arith.constant 0 : index
    %get3A_100 = arith.constant 0 : index
    %get3A_101 = vector.load %arg14[%get3A_99, %get3A_100] : memref<512x256xf32, #tpu.memory_space<vmem>>, vector<512x256xf32>
    %dot_general3A_102 = arith.constant dense<0.000000e+00> : vector<4096x256xf32>
    %dot_general3A_103 = tpu.matmul %add3A_98, %get3A_101, %dot_general3A_102 {dimension_numbers = #tpu.dot_dimension_numbers<[1], [0], [0], [1], [0, 0, 1, 1], [], []>, transpose_lhs_hint = false} : vector<4096x512xf32>, vector<512x256xf32>, vector<4096x256xf32> -> vector<4096x256xf32>
    %get3A_104 = arith.constant 0 : index
    %get3A_105 = arith.constant 0 : index
    %get3A_106 = vector.load %arg15[%get3A_104, %get3A_105] : memref<1x256xf32, #tpu.memory_space<vmem>>, vector<1x256xf32>
    %add3A_107 = vector.broadcast %get3A_106 : vector<1x256xf32> to vector<4096x256xf32>
    %add3A_108 = arith.addf %dot_general3A_103, %add3A_107 : vector<4096x256xf32>
    %reduce_sum3A_109 = arith.constant dense<0.000000e+00> : vector<256xf32>
    %reduce_sum3A_110 = vector.multi_reduction <add>, %add3A_108, %reduce_sum3A_109 [0] : vector<4096x256xf32> to vector<256xf32>
    %broadcast_in_dim3A_111 = vector.shape_cast %reduce_sum3A_110 : vector<256xf32> to vector<1x256xf32>
    %div3A_112 = arith.constant 4.096000e+03 : f32
    %div3A_113 = vector.broadcast %div3A_112 : f32 to vector<1x256xf32>
    %div3A_114 = arith.divf %broadcast_in_dim3A_111, %div3A_113 : vector<1x256xf32>
    %sub3A_115 = vector.broadcast %div3A_114 : vector<1x256xf32> to vector<4096x256xf32>
    %sub3A_116 = arith.subf %add3A_108, %sub3A_115 : vector<4096x256xf32>
    %mul3A_117 = arith.mulf %sub3A_116, %sub3A_116 : vector<4096x256xf32>
    %reduce_sum3A_118 = arith.constant dense<0.000000e+00> : vector<256xf32>
    %reduce_sum3A_119 = vector.multi_reduction <add>, %mul3A_117, %reduce_sum3A_118 [0] : vector<4096x256xf32> to vector<256xf32>
    %broadcast_in_dim3A_120 = vector.shape_cast %reduce_sum3A_119 : vector<256xf32> to vector<1x256xf32>
    %div3A_121 = arith.constant 4.096000e+03 : f32
    %div3A_122 = vector.broadcast %div3A_121 : f32 to vector<1x256xf32>
    %div3A_123 = arith.divf %broadcast_in_dim3A_120, %div3A_122 : vector<1x256xf32>
    %get3A_124 = arith.constant 0 : index
    %get3A_125 = arith.constant 0 : index
    %get3A_126 = vector.load %arg16[%get3A_124, %get3A_125] : memref<1x256xf32, #tpu.memory_space<vmem>>, vector<1x256xf32>
    %add3A_127 = arith.constant 9.99999974E-6 : f32
    %add3A_128 = vector.broadcast %add3A_127 : f32 to vector<1x256xf32>
    %add3A_129 = arith.addf %div3A_123, %add3A_128 : vector<1x256xf32>
    %rsqrt3A_130 = math.rsqrt %add3A_129 : vector<1x256xf32>
    %mul3A_131 = arith.mulf %get3A_126, %rsqrt3A_130 : vector<1x256xf32>
    %mul3A_132 = vector.broadcast %mul3A_131 : vector<1x256xf32> to vector<4096x256xf32>
    %mul3A_133 = arith.mulf %sub3A_116, %mul3A_132 : vector<4096x256xf32>
    %reduce_sum3A_134 = arith.constant dense<0.000000e+00> : vector<4096xf32>
    %reduce_sum3A_135 = vector.multi_reduction <add>, %mul3A_133, %reduce_sum3A_134 [1] : vector<4096x256xf32> to vector<4096xf32>
    %broadcast_in_dim3A_136 = vector.shape_cast %reduce_sum3A_135 : vector<4096xf32> to vector<4096x1xf32>
    %get3A_137 = arith.constant 0 : index
    %get3A_138 = arith.constant 0 : index
    %get3A_139 = vector.load %arg17[%get3A_137, %get3A_138] : memref<1x256xf32, #tpu.memory_space<vmem>>, vector<1x256xf32>
    %reduce_sum3A_140 = vector.shape_cast %get3A_139 : vector<1x256xf32> to vector<1x1x256xf32>
    %reduce_sum3A_141 = arith.constant dense<0.000000e+00> : vector<1xf32>
    %reduce_sum3A_142 = vector.multi_reduction <add>, %reduce_sum3A_140, %reduce_sum3A_141 [1, 2] : vector<1x1x256xf32> to vector<1xf32>
    %reduce_sum3A_143 = vector.shape_cast %reduce_sum3A_142 : vector<1xf32> to vector<1x1x1xf32>
    %reduce_sum3A_144 = vector.extract %reduce_sum3A_143[0, 0, 0] : f32 from vector<1x1x1xf32>
    %add3A_145 = vector.broadcast %reduce_sum3A_144 : f32 to vector<4096x1xf32>
    %add3A_146 = arith.addf %broadcast_in_dim3A_136, %add3A_145 : vector<4096x1xf32>
    %add3A_147 = arith.addf %add3A_19, %mul3A_53 : vector<4096x1xf32>
    %add3A_148 = arith.addf %add3A_147, %add3A_146 : vector<4096x1xf32>
    %get3A_149 = arith.constant 0 : index
    %get3A_150 = arith.constant 0 : index
    %get3A_151 = vector.load %arg19[%get3A_149, %get3A_150] : memref<4096x1xf32, #tpu.memory_space<vmem>>, vector<4096x1xf32>
    %add3A_152 = arith.addf %add3A_148, %get3A_151 : vector<4096x1xf32>
    %swap3A = arith.constant 0 : index
    %swap3A_153 = arith.constant 0 : index
    %swap3A_154 = vector.load %arg20[%swap3A, %swap3A_153] : memref<4096x1xf32, #tpu.memory_space<vmem>>, vector<4096x1xf32>
    tpu.vector_store %arg20[%swap3A, %swap3A_153], %add3A_152 {strides = array<i32>} : memref<4096x1xf32, #tpu.memory_space<vmem>>, vector<4096x1xf32>,
    return
  }
}

</mosaic_0001>

<sc_bundles>
// kernel: kernel.5.cloned.1.call-start
scs
__scs_entry_jumppad:
0x0: {  	(pc) =	sbr.rel $0x88, $3  }
0x1: {  	(tag) =	ssettag $0x0;
	lr =	simm.s32 $0x1  }
0x2: {  	[smem:$0x3F90] =	sst lr;
	_ =	strace $0xD0000000  }
0x3: {  	_ = 	snop  }
0x4: {  	_ = 	snop  }
0x5: {  	_ = 	snop  }
0x6: {  	_ = 	snop  }
0x7: {  	_ = 	snop  }
__scs_overlays_trampoline_lowered:
0x8: {  	[smem:$0x3F9F] =	sst s0  }
0x9: {  	[smem:$0x3FA0] =	sst s1  }
0xa: {  	[smem:$0x3FA1] =	sst s2  }
0xb: {  	[smem:$0x3FA2] =	sst s3  }
0xc: {  	[smem:$0x3FA3] =	sst s4  }
0xd: {  	[smem:$0x3FA4] =	sst s5  }
0xe: {  	[smem:$0x3FA5] =	sst s6  }
0xf: {  	[smem:$0x3FA6] =	sst s7  }
0x10: {  	[smem:$0x3FA7] =	sst s8  }
0x11: {  	[smem:$0x3FA8] =	sst s9;
	s0 =	simm.s32 @!p0 $0x0  }
0x12: {  	s1 =	sld [smem:$0x3F8E];
	s0 =	simm.s32 @p0 $0x1  }
0x13: {  	[smem:$0x3FA9] =	sst s0;
	s0 =	simm.s32 @!p1 $0x0  }
0x14: {  	s2 =	sld [smem:$0x3F8D];
	s0 =	simm.s32 @p1 $0x1  }
0x15: {  	[smem:$0x3FAA] =	sst s0;
	s0 =	simm.s32 @!p2 $0x0  }
0x16: {  	s3 =	sld [smem:$0x3FDB];
	s0 =	simm.s32 @p2 $0x1  }
0x17: {  	s4 =	simm.s32 $0x1BF5;
	[smem:$0x3FAC] =	sst s0  }
0x18: {  	s0 =	sld [smem:$0x3F8F];
	_ =	swait.ge [sflag:s4], $0x0  }
0x19: {  	s7 =	sld [smem:$0x3F90]  }
0x1a: {  	s8 =	sadd.s32 $0xFFFFE003, lr  }
0x1b: {  	s9 =	sadd.s32 $0xFFFFFEF7, lr;
	s5 =	simm.s32 $0xFFFFFFFF;
	p2 =	slt.u32 s8, $0xFFFFF086  }
0x1c: {  	p1 =	slt.u32 s9, $0xF7A;
	s5 =	simm.s32 @!p2 $0x0  }
0x1d: {  	s5 =	simm.s32 @p1 $0x1;
	p0 =	seq.s32 s7, s2  }
0x1e: {  	s7 =	smul.u32 @!p0 $0xF7A, s2;
	p2 =	seq.s32 @!p0 s5, $0x0  }
0x1f: {  	s9 =	smul.u32 $0xF7A, s1;
	s8 =	simm.s32 @!p0 $0x1BF5;
	p2 =	por !p2, p0  }
0x20: {  	[sflag:s8] =	ssyncset.s32 @!p0 $0xFFFFF086;
	s6 =	sadd.s32 @!p0 s3, s7;
	s7 =	simm.s32 @!p0 $0x108  }
0x21: {  	s3 =	sadd.s32 s3, s9;
	s6 =	sadd.s32 @!p0 $0x88, s6;
	s7 =	simm.s32 @p2 $0x1082  }
0x22: {  	[simem:s7], [sflag:s8] =	dma.local @!p0 [hbm:s6], $0xF7A  }
0x23: {  	s9 =	sor.u32 $0xD0000000, s2;
	s6 =	simm.s32 $0x108;
	_ =	swait.ge @!p0 [sflag:s8], $0x0  }
0x24: {  	s3 =	sadd.s32 $0x88, s3;
	s6 =	simm.s32 @!p1 $0x1082;
	[sflag:s4] =	ssyncset.s32 $0xFFFFF086  }
0x25: {  	[simem:s6], [sflag:s4] =	dma.local [hbm:s3], $0xF7A  }
0x26: {  	[smem:$0x3F90] =	sst s1;
	(tag) =	ssettag s2;
	_ =	strace s9  }
0x27: {  	s1 =	sld [smem:$0x3FA0]  }
0x28: {  	s2 =	sld [smem:$0x3FA1]  }
0x29: {  	s4 =	sld [smem:$0x3FA3]  }
0x2a: {  	p0 =	seq.s32 s5, $0x0;
	s5 =	sld [smem:$0x3FA4]  }
0x2b: {  	s6 =	sld [smem:$0x3FA5]  }
0x2c: {  	s7 =	sld [smem:$0x3FA6]  }
0x2d: {  	s3 =	simm.s32 $0x108;
	s8 =	sld [smem:$0x3FA7]  }
0x2e: {  	s3 =	simm.s32 @!p0 $0x1082;
	s9 =	sld [smem:$0x3FA8]  }
0x2f: {  	lr =	sadd.s32 s0, s3;
	s0 =	sld [smem:$0x3F9F]  }
0x30: {  	s3 =	sld [smem:$0x3FA2]  }
0x31: {  	[smem:$0x3FAB] =	sst s10  }
0x32: {  	s10 =	sld [smem:$0x3FA9];
	_ =	sdelay $0x3  }
0x33: {  	p0 =	seq.s32 s10, $0x1;
	s10 =	sld [smem:$0x3FAB];
	_ =	sdelay $0x3  }
0x34: {  	[smem:$0x3FAB] =	sst s10  }
0x35: {  	s10 =	sld [smem:$0x3FAA];
	_ =	sdelay $0x3  }
0x36: {  	p1 =	seq.s32 s10, $0x1;
	s10 =	sld [smem:$0x3FAB];
	_ =	sdelay $0x3  }
0x37: {  	[smem:$0x3FAB] =	sst s10  }
0x38: {  	s10 =	sld [smem:$0x3FAC]  }
0x39: {  	_ = 	snop;
	(pc) =	sbr.ind lr, $3  }
0x3a: {  	_ = 	snop  }
0x3b: {  	_ = 	snop  }
0x3c: {  	p2 =	seq.s32 s10, $0x1;
	s10 =	sld [smem:$0x3FAB]  }
0x3d: {  	_ =	shalt  }
0x3e: {  	_ =	shalt  }
0x3f: {  	_ =	shalt  }
0x40: {  	_ =	shalt  }
0x41: {  	_ =	shalt  }
0x42: {  	_ =	shalt  }
0x43: {  	_ =	shalt  }
0x44: {  	_ =	shalt  }
0x45: {  	_ =	shalt  }
0x46: {  	_ =	shalt  }
0x47: {  	_ =	shalt  }
0x48: {  	_ =	shalt  }
0x49: {  	_ =	shalt  }
0x4a: {  	_ =	shalt  }
0x4b: {  	_ =	shalt  }
0x4c: {  	_ =	shalt  }
0x4d: {  	_ =	shalt  }
0x4e: {  	_ =	shalt  }
0x4f: {  	_ =	shalt  }
0x50: {  	_ =	shalt  }
0x51: {  	_ =	shalt  }
0x52: {  	_ =	shalt  }
0x53: {  	_ =	shalt  }
0x54: {  	_ =	shalt  }
0x55: {  	_ =	shalt  }
0x56: {  	_ =	shalt  }
0x57: {  	_ =	shalt  }
0x58: {  	_ =	shalt  }
0x59: {  	_ =	shalt  }
0x5a: {  	_ =	shalt  }
0x5b: {  	_ =	shalt  }
0x5c: {  	_ =	shalt  }
0x5d: {  	_ =	shalt  }
0x5e: {  	_ =	shalt  }
0x5f: {  	_ =	shalt  }
0x60: {  	_ =	shalt  }
0x61: {  	_ =	shalt  }
0x62: {  	_ =	shalt  }
0x63: {  	_ =	shalt  }
0x64: {  	_ =	shalt  }
0x65: {  	_ =	shalt  }
0x66: {  	_ =	shalt  }
0x67: {  	_ =	shalt  }
0x68: {  	_ =	shalt  }
0x69: {  	_ =	shalt  }
0x6a: {  	_ =	shalt  }
0x6b: {  	_ =	shalt  }
0x6c: {  	_ =	shalt  }
0x6d: {  	_ =	shalt  }
0x6e: {  	_ =	shalt  }
0x6f: {  	_ =	shalt  }
0x70: {  	_ =	shalt  }
0x71: {  	_ =	shalt  }
0x72: {  	_ =	shalt  }
0x73: {  	_ =	shalt  }
0x74: {  	_ =	shalt  }
0x75: {  	_ =	shalt  }
0x76: {  	_ =	shalt  }
0x77: {  	_ =	shalt  }
0x78: {  	_ =	shalt  }
0x79: {  	_ =	shalt  }
0x7a: {  	_ =	shalt  }
0x7b: {  	_ =	shalt  }
0x7c: {  	_ =	shalt  }
0x7d: {  	_ =	shalt  }
0x7e: {  	_ =	shalt  }
0x7f: {  	_ =	shalt  }
0x80: {  	_ =	shalt  }
0x81: {  	_ =	shalt  }
0x82: {  	_ =	shalt  }
0x83: {  	_ =	shalt  }
0x84: {  	_ =	shalt  }
0x85: {  	_ =	shalt  }
0x86: {  	_ =	shalt  }
0x87: {  	_ =	shalt  }
.Lfunc_end0:
.L_simem_size_0:
called_computation_lowered:
.L_overlay_start_0:
0x88: {  	s2 =	sld [smem:$0x3FD9]  }
0x89: {  	s3 =	sld [smem:$0x3FFE];
	_ =	sdelay $0x1  }
0x8a: {  	s1 =	srdreg.scid  }
0x8b: {  	s0 =	sand.u32 $0x1, s1  }
0x8c: {  	s16 =	sshll.u32 s0, $0xA;
	s2 =	sadd.s32 s3, s2  }
0x8d: {  	s2 =	sadd.s32 s2, s16  }
0x8e: {  	[smem:$0x3FB7] =	sst s2  }
0x8f: {  	_ = 	snop  }
0x90: {  	(tm) =	ssettm $0x1  }
0x91: {  	s17 =	sld [smem:$0x3FFB];
	_ =	sdelay $0x3  }
0x92: {  	_ =	strace s17  }
0x93: {  	s2 =	sld [smem:$0x3FFC];
	_ =	sdelay $0x3  }
0x94: {  	_ =	strace s2  }
0x95: {  	s2 =	sld [smem:$0x3FFD];
	_ =	sdelay $0x3  }
0x96: {  	_ =	strace s2  }
0x97: {  	_ =	strace $0x8FFFFFFF  }
0x98: {  	s18 =	sld [smem:$0x3FDB];
	_ =	sdelay $0x1  }
0x99: {  	s19 =	simm.s32 $_scs_section_size  }
0x9a: {  	s4 =	simm.s32 $_size__tile_overlayer_lowered;
	s5 =	simm.s32 $_tile_overlayer_lowered  }
0x9b: {  	s22 =	simm.s32 $0x1BFF;
	s21 =	sshll.u32 s5, $0x1;
	s2 =	sadd.s32 s19, s18  }
0x9c: {  	s6 =	simm.s32 $0x0;
	s20 =	sshll.u32 s4, $0x1;
	s4 =	sadd.s32 s21, s2  }
0x9d: {  	[timem:s6], [sflag:s22] =	dma.local [hbm:s4], s20  }
0x9e: {  	_ =	swait.ge [sflag:s22], s20  }
0x9f: {  	s3 =	ssub.s32 $0x0, s20;
	[sflag:s22] =	ssyncset.done $0x0  }
0xa0: {  	[sflag:s22] =	ssyncadd.s32 s3;
	_ =	sdelay $0x1  }
0xa1: {  	s23 =	simm.s32 $0x1B8B  }
0xa2: {  	_ =	swait.ge [sflag:s23], $0x1  }
0xa3: {  	[sflag:s23] =	ssyncset.done $0x0  }
0xa4: {  	s25 =	simm.s32 $0x1B8E;
	s24 =	sld [smem:$0x3FFE];
	[sflag:s23] =	ssyncadd.s32 $0xFFFFFFFF  }
0xa5: {  	s26 =	simm.s32 $execute0_lowered;
	[smem:$0x3FD2] =	sst s25  }
0xa6: {  	s4 =	sshll.u32 s26, $0x1;
	_ =	strace $0x80000046;
	[dreg:$0x1] =	wrdreg $0xFFFFFFFF  }
0xa7: {  	s28 =	simm.s32 $_size_execute0_lowered;
	s2 =	sadd.s32 s2, s4;
	[dreg:$0x0] =	wrdreg $0x0  }
0xa8: {  	s4 =	sshll.u32 s28, $0x1;
	[dreg:$0x2] =	wrdreg s2  }
0xa9: {  	[dreg:$0x3] =	wrdreg s4  }
0xaa: {  	[dreg:$0x4] =	wrdreg $0xC0  }
0xab: {  	_ =	task [dreg:s6], $0x5FFFF  }
0xac: {  	[dreg:$0x1] =	wrdreg $0xFFFFFFFF  }
0xad: {  	[dreg:$0x0] =	wrdreg $0x60  }
0xae: {  	[dreg:$0x2] =	wrdreg s24  }
0xaf: {  	[dreg:$0x3] =	wrdreg $0x9  }
0xb0: {  	_ =	task.clear_ibuf [dreg:s6], $0x4FFFF;
	_ =	strace $0x90000046  }
0xb1: {  	s29 =	simm.s32 $0x9;
	_ =	strace $0x80000048  }
0xb2: {  	_ =	swait.ge [sflag:s29], $0x1  }
0xb3: {  	[sflag:s29] =	ssyncadd.s32 $0xFFFFFFFF  }
0xb4: {  	_ =	strace $0x90000048  }
0xb5: {  	_ =	sfence  }
0xb6: {  	s30 =	sld [smem:$0x0];
	_ =	sdelay $0x2  }
0xb7: {  	s31 =	sshll.u32 s1, $0xD;
	s1 =	sshrl.u32 s1, $0x2  }
0xb8: {  	s3 =	sand.u32 $0x4000, s31;
	s1 =	sadd.s32 s1, s30  }
0xb9: {  	s0 =	sor.u32 s3, s0;
	s1 =	sshll.u32 s1, $0x11  }
0xba: {  	s0 =	sor.u32 s1, s0  }
0xbb: {  	s0 =	sadd.s32 $0x8F2B, s0  }
0xbc: {  	[sflag:s0] =	ssyncadd.remote.s32 $0x1  }
0xbd: {  	_ =	sfence.sel $0xFFFF  }
0xbe: {  	[dreg:$0x0] =	wrdreg $0xFFFFFFFF;
	(pc) =	sbr.abs _section_cstart, $3  }
0xbf: {  	[dreg:$0x1] =	wrdreg $0xFFFFFFFF  }
0xc0: {  	_ =	task.clear_ibuf [dreg:s6], $0x2FFFF;
	_ =	strace $0x9FFFFFFF  }
0xc1: {  	(tm) =	ssettm $0x7FFFFFFF  }
tec
execute0_lowered:
.L_overlay_start_1:
0x0: {  	(tag) =	ssettag $0x1  }
0x1: {  	s1 =	srdreg.scid  }
0x2: {  	s0 =	stileid.u32;
	s4 =	rddreg [dreg:$0x0]  }
0x3: {  	s2 =	simm.s32 $0x0;
	s11 =	simm.s32 $0x680;
	s12 =	simm.s32 $0xD00  }
0x4: {  	s13 =	simm.s32 $0x6800;
	s14 =	simm.s32 $0x7500;
	s15 =	simm.s32 $0x1  }
0x5: {  	s3 =	sand.u32 $0x1, s1;
	s31 =	sshll.u32 s0, $0x1;
	s1 =	rddreg [dreg:$0x1]  }
0x6: {  	s16 =	simm.s32 $0x0;
	[smem:$0x7FF] =	sst s2;
	s5 =	sor.u32 s3, s31  }
0x7: {  	_ =	strace $0x80000047;
	s8 =	ssub.s32 $0x2, s3;
	s6 =	smul.u32 $0xD0, s5  }
0x8: {  	s7 =	sshll.u32 s5, $0x4;
	s5 =	smul.u32 $0xD00, s5;
	s9 =	sshrl.u32 s8, $0x1  }
0x9: {  	s3 =	sadd.s32 $0x9800, s4;
	s7 =	sadd.s32 s7, s4;
	s8 =	ssub.s32 s8, s9  }
0xa: {  	s9 =	simm.s32 $0x80;
	s6 =	sadd.s32 s6, s4;
	s10 =	sadd.s32 s5, s4  }
0xb: {  	v0 =	vlaneseq.u32;
	s5 =	sadd.s32 $0x4A00, s7;
	s7 =	smax.u32 s8, $0x1;
	s8 =	simm.s32 $0x2  }
0xc: {  	v1 =	vor.u32 $0xFFFFFFF8, v0;
	s4 =	sadd.s32 $0x7E00, s6;
	s6 =	sadd.s32 $0x284600, s10;
	s10 =	simm.s32 $0x1000  }
.LBB2_1:
0xd: {  	[tilespmem:s2], [sflag:$0x2] =	stream.linear.gather [hbm4b:s4+s2], $0x680, $0x38;
	[tilespmem:$0xDD00] =	vst v63  }
0xe: {  	_ =	swait.ge [sflag:s8], $0x680  }
0xf: {  	v2 =	vor.u32 s2, v0;
	[sflag:s8] =	ssyncset.done $0x0  }
0x10: {  	v3 =	vand.u32 v1, v2;
	[sflag:s8] =	ssyncadd.s32 $0xFFFFF980  }
0x11: {  	[tilespmem:s11], [sflag:$0x2] =	stream.strided.gather [hbm4b:s5+s9], $0x680, s10, s9, $0x38;
	[tilespmem:$0xDD00] =	vst v63  }
0x12: {  	v4 =	vmulhi.u32 $0x4EC4EC4F, v2;
	_ =	swait.ge [sflag:s8], $0x680  }
0x13: {  	[sflag:s8] =	ssyncset.done $0x0  }
0x14: {  	v4 =	vshrl.u32 v4, $0x2;
	[sflag:s8] =	ssyncadd.s32 $0xFFFFF980  }
0x15: {  	v4 =	vmul.u32 $0xD, v4;
	v3 =	vld.idx.msk [tilespmem:v3+s2+$0x0], $0xffff  }
0x16: {  	v5 =	vshll.u32 v2, $0x4  }
0x17: {  	v2 =	vsub.s32 v2, v4;
	v4 =	vor.u32 $0x1, v5  }
0x18: {  	v6 =	vor.u32 $0x2, v5;
	v2 =	vmul.u32 $0x186A00, v2  }
0x19: {  	v7 =	vor.u32 $0x3, v5  }
0x1a: {  	v8 =	vadd.s32 v2, v3;
	v2 =	vor.u32 $0x4, v5  }
0x1b: {  	v9 =	vor.u32 $0x5, v5;
	[tilespmem:v5+s12+$0x0] =	vst.idx.msk $0xffff, v8;
	v3 =	vadd.s32 $0x186A0, v8  }
0x1c: {  	[tilespmem:v4+s12+$0x0] =	vst.idx.msk $0xffff, v3;
	v3 =	vadd.s32 $0x30D40, v8;
	v4 =	vor.u32 $0x6, v5  }
0x1d: {  	[tilespmem:v6+s12+$0x0] =	vst.idx.msk $0xffff, v3;
	v3 =	vadd.s32 $0x493E0, v8;
	v6 =	vor.u32 $0x7, v5  }
0x1e: {  	[tilespmem:v7+s12+$0x0] =	vst.idx.msk $0xffff, v3;
	v3 =	vadd.s32 $0x61A80, v8;
	v7 =	vor.u32 $0x8, v5  }
0x1f: {  	[tilespmem:v2+s12+$0x0] =	vst.idx.msk $0xffff, v3;
	v2 =	vadd.s32 $0x7A120, v8;
	v3 =	vor.u32 $0x9, v5  }
0x20: {  	v62 =	vor.u32 $0xA, v5;
	[tilespmem:v9+s12+$0x0] =	vst.idx.msk $0xffff, v2;
	v2 =	vadd.s32 $0x927C0, v8  }
0x21: {  	[tilespmem:v4+s12+$0x0] =	vst.idx.msk $0xffff, v2;
	v2 =	vadd.s32 $0xAAE60, v8;
	v4 =	vor.u32 $0xB, v5  }
0x22: {  	[tilespmem:v6+s12+$0x0] =	vst.idx.msk $0xffff, v2;
	v2 =	vadd.s32 $0xC3500, v8;
	v6 =	vor.u32 $0xC, v5  }
0x23: {  	[tilespmem:v7+s12+$0x0] =	vst.idx.msk $0xffff, v2;
	v2 =	vadd.s32 $0xDBBA0, v8;
	v7 =	vor.u32 $0xD, v5  }
0x24: {  	[tilespmem:v3+s12+$0x0] =	vst.idx.msk $0xffff, v2;
	v3 =	vadd.s32 $0xF4240, v8  }
0x25: {  	[tilespmem:v62+s12+$0x0] =	vst.idx.msk $0xffff, v3;
	v3 =	vadd.s32 $0x10C8E0, v8  }
0x26: {  	s17 =	simm.s32 $0x10;
	v10 =	vor.u32 $0xE, v5;
	[tilespmem:v4+s12+$0x0] =	vst.idx.msk $0xffff, v3;
	v3 =	vadd.s32 $0x124F80, v8  }
0x27: {  	v2 =	vor.u32 s17, v0;
	v4 =	vadd.s32 $0x13D620, v8;
	[tilespmem:v6+s12+$0x0] =	vst.idx.msk $0xffff, v3;
	v3 =	vor.u32 $0xF, v5  }
0x28: {  	v63 =	vmulhi.u32 $0x4EC4EC4F, v2;
	[tilespmem:v7+s12+$0x0] =	vst.idx.msk $0xffff, v4;
	v4 =	vand.u32 v1, v2;
	_ =	sdelay $0x1  }
0x29: {  	v5 =	vshrl.u32 v63, $0x2;
	v6 =	vadd.s32 $0x155CC0, v8  }
0x2a: {  	s17 =	simm.s32 $0x20;
	v5 =	vmul.u32 $0xD, v5;
	[tilespmem:v10+s12+$0x0] =	vst.idx.msk $0xffff, v6;
	v6 =	vadd.s32 $0x16E360, v8  }
.LBB2_2:
0x2b: {  	p0 =	sne.s32 s17, $0x670;
	[tilespmem:v3+s12+$0x0] =	vst.idx.msk $0xffff, v6;
	s18 =	smov.u32 s17;
	s17 =	sadd.s32 $0x10, s17  }
0x2c: {  	v3 =	vsub.s32 v2, v5;
	v4 =	vld.idx.msk [tilespmem:v4+s2+$0x0], $0xffff;
	_ =	sdelay $0x1  }
0x2d: {  	v5 =	vshll.u32 v2, $0x4  }
0x2e: {  	v2 =	vor.u32 $0x1, v5  }
0x2f: {  	v3 =	vmul.u32 $0x186A00, v3;
	v6 =	vor.u32 $0x2, v5  }
0x30: {  	v7 =	vor.u32 $0x3, v5  }
0x31: {  	v8 =	vadd.s32 v3, v4;
	v3 =	vor.u32 $0x4, v5  }
0x32: {  	v9 =	vor.u32 $0x5, v5;
	v4 =	vadd.s32 $0x186A0, v8;
	[tilespmem:v5+s12+$0x0] =	vst.idx.msk $0xffff, v8  }
0x33: {  	[tilespmem:v2+s12+$0x0] =	vst.idx.msk $0xffff, v4;
	v2 =	vadd.s32 $0x30D40, v8;
	v4 =	vor.u32 $0x6, v5  }
0x34: {  	[tilespmem:v6+s12+$0x0] =	vst.idx.msk $0xffff, v2;
	v2 =	vadd.s32 $0x493E0, v8;
	v6 =	vor.u32 $0x7, v5  }
0x35: {  	[tilespmem:v7+s12+$0x0] =	vst.idx.msk $0xffff, v2;
	v2 =	vadd.s32 $0x61A80, v8;
	v7 =	vor.u32 $0x8, v5  }
0x36: {  	[tilespmem:v3+s12+$0x0] =	vst.idx.msk $0xffff, v2;
	v2 =	vadd.s32 $0x7A120, v8;
	v3 =	vor.u32 $0x9, v5  }
0x37: {  	[tilespmem:v9+s12+$0x0] =	vst.idx.msk $0xffff, v2;
	v2 =	vadd.s32 $0x927C0, v8;
	v9 =	vor.u32 $0xA, v5  }
0x38: {  	v10 =	vor.u32 $0xB, v5;
	[tilespmem:v4+s12+$0x0] =	vst.idx.msk $0xffff, v2;
	v2 =	vadd.s32 $0xAAE60, v8  }
0x39: {  	[tilespmem:v6+s12+$0x0] =	vst.idx.msk $0xffff, v2;
	v2 =	vadd.s32 $0xC3500, v8;
	v6 =	vor.u32 $0xC, v5  }
0x3a: {  	[tilespmem:v7+s12+$0x0] =	vst.idx.msk $0xffff, v2;
	v2 =	vadd.s32 $0xDBBA0, v8;
	v7 =	vor.u32 $0xD, v5  }
0x3b: {  	v11 =	vor.u32 $0xE, v5;
	[tilespmem:v3+s12+$0x0] =	vst.idx.msk $0xffff, v2;
	v3 =	vadd.s32 $0xF4240, v8  }
.Ltmp0:
0x3c: {  	v2 =	vor.u32 s18, v0;
	[tilespmem:v9+s12+$0x0] =	vst.idx.msk $0xffff, v3;
	v9 =	vadd.s32 $0x10C8E0, v8;
	v3 =	vor.u32 $0xF, v5;
	(pc) =	sbr.rel @p0 .LBB2_2-.Ltmp0, $4  }
0x3d: {  	v5 =	vmulhi.u32 $0x4EC4EC4F, v2;
	v4 =	vand.u32 v1, v2;
	[tilespmem:v10+s12+$0x0] =	vst.idx.msk $0xffff, v9;
	v9 =	vadd.s32 $0x124F80, v8  }
0x3e: {  	[tilespmem:v6+s12+$0x0] =	vst.idx.msk $0xffff, v9;
	v6 =	vadd.s32 $0x13D620, v8  }
0x3f: {  	v5 =	vshrl.u32 v5, $0x2;
	[tilespmem:v7+s12+$0x0] =	vst.idx.msk $0xffff, v6;
	v6 =	vadd.s32 $0x155CC0, v8  }
0x40: {  	v5 =	vmul.u32 $0xD, v5;
	[tilespmem:v11+s12+$0x0] =	vst.idx.msk $0xffff, v6;
	v6 =	vadd.s32 $0x16E360, v8  }
0x41: {  	_ =	sdelay $0x3  }
0x42: {  	[tilespmem:v3+s12+$0x0] =	vst.idx.msk $0xffff, v6  }
0x43: {  	v3 =	vld.idx.msk [tilespmem:v4+s2+$0x0], $0xffff  }
0x44: {  	v4 =	vshll.u32 v2, $0x4  }
0x45: {  	v2 =	vsub.s32 v2, v5;
	v5 =	vor.u32 $0x1, v4  }
0x46: {  	v2 =	vmul.u32 $0x186A00, v2;
	v6 =	vor.u32 $0x2, v4  }
0x47: {  	v7 =	vor.u32 $0x3, v4  }
0x48: {  	v2 =	vadd.s32 v2, v3;
	v3 =	vor.u32 $0x4, v4  }
0x49: {  	v9 =	vor.u32 $0x5, v4;
	[tilespmem:v4+s12+$0x0] =	vst.idx.msk $0xffff, v2;
	v8 =	vadd.s32 $0x186A0, v2  }
0x4a: {  	v58 =	vor.u32 $0x6, v4;
	[tilespmem:v5+s12+$0x0] =	vst.idx.msk $0xffff, v8;
	v5 =	vadd.s32 $0x30D40, v2  }
0x4b: {  	[tilespmem:v6+s12+$0x0] =	vst.idx.msk $0xffff, v5;
	v5 =	vadd.s32 $0x493E0, v2;
	v6 =	vor.u32 $0x7, v4  }
0x4c: {  	[tilespmem:v7+s12+$0x0] =	vst.idx.msk $0xffff, v5;
	v5 =	vadd.s32 $0x61A80, v2;
	v7 =	vor.u32 $0x8, v4  }
0x4d: {  	[tilespmem:v3+s12+$0x0] =	vst.idx.msk $0xffff, v5;
	v3 =	vadd.s32 $0x7A120, v2;
	v5 =	vor.u32 $0x9, v4  }
0x4e: {  	v59 =	vor.u32 $0xA, v4;
	[tilespmem:v9+s12+$0x0] =	vst.idx.msk $0xffff, v3;
	v3 =	vadd.s32 $0x927C0, v2  }
0x4f: {  	s17 =	simm.s32 $0x0;
	v60 =	vor.u32 $0xB, v4;
	[tilespmem:v58+s12+$0x0] =	vst.idx.msk $0xffff, v3;
	v3 =	vadd.s32 $0xAAE60, v2  }
0x50: {  	v10 =	vor.u32 s17, v0;
	[tilespmem:v6+s12+$0x0] =	vst.idx.msk $0xffff, v3;
	v3 =	vadd.s32 $0xC3500, v2;
	v6 =	vor.u32 $0xC, v4  }
0x51: {  	v11 =	vmulhi.u32 $0x4EC4EC4F, v10;
	[tilespmem:v7+s12+$0x0] =	vst.idx.msk $0xffff, v3;
	v3 =	vadd.s32 $0xDBBA0, v2;
	v7 =	vor.u32 $0xD, v4  }
0x52: {  	[tilespmem:v5+s12+$0x0] =	vst.idx.msk $0xffff, v3;
	v3 =	vadd.s32 $0xF4240, v2;
	v5 =	vor.u32 $0xE, v4  }
0x53: {  	v61 =	vshrl.u32 v11, $0x2;
	v4 =	vor.u32 $0xF, v4;
	[tilespmem:v59+s12+$0x0] =	vst.idx.msk $0xffff, v3;
	v3 =	vadd.s32 $0x10C8E0, v2  }
0x54: {  	v62 =	vmul.u32 $0xFFFFFFF3, v61;
	[tilespmem:v60+s12+$0x0] =	vst.idx.msk $0xffff, v3;
	v3 =	vadd.s32 $0x124F80, v2  }
0x55: {  	[tilespmem:v6+s12+$0x0] =	vst.idx.msk $0xffff, v3;
	v3 =	vadd.s32 $0x13D620, v2  }
0x56: {  	v6 =	vadd.s32 v10, v62;
	[tilespmem:v7+s12+$0x0] =	vst.idx.msk $0xffff, v3;
	v3 =	vadd.s32 $0x155CC0, v2  }
0x57: {  	v2 =	vadd.s32 $0x16E360, v2;
	[tilespmem:v5+s12+$0x0] =	vst.idx.msk $0xffff, v3;
	v3 =	vand.u32 $0xF8, v61;
	v5 =	vshll.u32 v6, $0x7  }
0x58: {  	[tilespmem:v4+s12+$0x0] =	vst.idx.msk $0xffff, v2;
	v2 =	vand.u32 $0x7, v61;
	v3 =	vadd.s32 v3, v5;
	v4 =	vshll.u32 v10, $0x4  }
0x59: {  	[tilespmem:s14], [sflag:$0x1] =	stream.indirect.gather [hbm4b:s3+s13], $0x1, s12, s13, $0xb8;
	v2 =	vor.u32 v2, v3;
	[tilespmem:$0xDD00] =	vst v63  }
0x5a: {  	_ =	swait.ge [sflag:s15], $0x6800  }
0x5b: {  	[sflag:s15] =	ssyncset.done $0x0  }
0x5c: {  	[sflag:s15] =	ssyncadd.s32 $0xFFFF9800  }
0x5d: {  	v3 =	vld.idx.msk [tilespmem:v4+s14+$0x0], $0xffff  }
0x5e: {  	v6 =	vld.idx.msk [tilespmem:v2+s11+$0x0], $0xffff;
	_ =	sdelay $0x2  }
0x5f: {  	v2 =	vor.u32 $0x1, v4;
	_ =	sdelay $0x1  }
0x60: {  	v3 =	vmul.f32 v3, v6;
	_ =	sdelay $0x1  }
0x61: {  	[tilespmem:v4+s14+$0x0] =	vst.idx.msk $0xffff, v3  }
0x62: {  	v3 =	vld.idx.msk [tilespmem:v2+s14+$0x0], $0xffff;
	_ =	sdelay $0x2  }
0x63: {  	v5 =	vor.u32 $0x2, v4;
	_ =	sdelay $0x1  }
0x64: {  	v3 =	vmul.f32 v3, v6;
	_ =	sdelay $0x1  }
0x65: {  	[tilespmem:v2+s14+$0x0] =	vst.idx.msk $0xffff, v3  }
0x66: {  	v2 =	vld.idx.msk [tilespmem:v5+s14+$0x0], $0xffff;
	_ =	sdelay $0x2  }
0x67: {  	v3 =	vor.u32 $0x3, v4;
	_ =	sdelay $0x1  }
0x68: {  	v2 =	vmul.f32 v2, v6;
	_ =	sdelay $0x1  }
0x69: {  	[tilespmem:v5+s14+$0x0] =	vst.idx.msk $0xffff, v2  }
0x6a: {  	v2 =	vld.idx.msk [tilespmem:v3+s14+$0x0], $0xffff;
	_ =	sdelay $0x2  }
0x6b: {  	v5 =	vor.u32 $0x4, v4;
	_ =	sdelay $0x1  }
0x6c: {  	v2 =	vmul.f32 v2, v6;
	_ =	sdelay $0x1  }
0x6d: {  	[tilespmem:v3+s14+$0x0] =	vst.idx.msk $0xffff, v2  }
0x6e: {  	v2 =	vld.idx.msk [tilespmem:v5+s14+$0x0], $0xffff;
	_ =	sdelay $0x2  }
0x6f: {  	v3 =	vor.u32 $0x5, v4;
	_ =	sdelay $0x1  }
0x70: {  	v2 =	vmul.f32 v2, v6;
	_ =	sdelay $0x1  }
0x71: {  	[tilespmem:v5+s14+$0x0] =	vst.idx.msk $0xffff, v2  }
0x72: {  	v2 =	vld.idx.msk [tilespmem:v3+s14+$0x0], $0xffff;
	_ =	sdelay $0x2  }
0x73: {  	v5 =	vor.u32 $0x6, v4;
	_ =	sdelay $0x1  }
0x74: {  	v2 =	vmul.f32 v2, v6;
	_ =	sdelay $0x1  }
0x75: {  	[tilespmem:v3+s14+$0x0] =	vst.idx.msk $0xffff, v2  }
0x76: {  	v2 =	vld.idx.msk [tilespmem:v5+s14+$0x0], $0xffff;
	_ =	sdelay $0x2  }
0x77: {  	v3 =	vor.u32 $0x7, v4;
	_ =	sdelay $0x1  }
0x78: {  	v2 =	vmul.f32 v2, v6;
	_ =	sdelay $0x1  }
0x79: {  	[tilespmem:v5+s14+$0x0] =	vst.idx.msk $0xffff, v2  }
0x7a: {  	v2 =	vld.idx.msk [tilespmem:v3+s14+$0x0], $0xffff;
	_ =	sdelay $0x2  }
0x7b: {  	v5 =	vor.u32 $0x8, v4;
	_ =	sdelay $0x1  }
0x7c: {  	v2 =	vmul.f32 v2, v6;
	_ =	sdelay $0x1  }
0x7d: {  	[tilespmem:v3+s14+$0x0] =	vst.idx.msk $0xffff, v2  }
0x7e: {  	v2 =	vld.idx.msk [tilespmem:v5+s14+$0x0], $0xffff;
	_ =	sdelay $0x2  }
0x7f: {  	v3 =	vor.u32 $0x9, v4;
	_ =	sdelay $0x1  }
0x80: {  	v2 =	vmul.f32 v2, v6;
	_ =	sdelay $0x1  }
0x81: {  	[tilespmem:v5+s14+$0x0] =	vst.idx.msk $0xffff, v2  }
0x82: {  	v2 =	vld.idx.msk [tilespmem:v3+s14+$0x0], $0xffff;
	_ =	sdelay $0x2  }
0x83: {  	v5 =	vor.u32 $0xA, v4;
	_ =	sdelay $0x1  }
0x84: {  	v2 =	vmul.f32 v2, v6;
	_ =	sdelay $0x1  }
0x85: {  	[tilespmem:v3+s14+$0x0] =	vst.idx.msk $0xffff, v2  }
0x86: {  	v2 =	vld.idx.msk [tilespmem:v5+s14+$0x0], $0xffff;
	_ =	sdelay $0x2  }
0x87: {  	v3 =	vor.u32 $0xB, v4;
	_ =	sdelay $0x1  }
0x88: {  	v2 =	vmul.f32 v2, v6;
	_ =	sdelay $0x1  }
0x89: {  	[tilespmem:v5+s14+$0x0] =	vst.idx.msk $0xffff, v2  }
0x8a: {  	v2 =	vld.idx.msk [tilespmem:v3+s14+$0x0], $0xffff;
	_ =	sdelay $0x2  }
0x8b: {  	v5 =	vor.u32 $0xC, v4;
	_ =	sdelay $0x1  }
0x8c: {  	v2 =	vmul.f32 v2, v6;
	_ =	sdelay $0x1  }
0x8d: {  	[tilespmem:v3+s14+$0x0] =	vst.idx.msk $0xffff, v2  }
0x8e: {  	v2 =	vld.idx.msk [tilespmem:v5+s14+$0x0], $0xffff;
	_ =	sdelay $0x2  }
0x8f: {  	v3 =	vor.u32 $0xD, v4;
	_ =	sdelay $0x1  }
0x90: {  	v2 =	vmul.f32 v2, v6;
	_ =	sdelay $0x1  }
0x91: {  	[tilespmem:v5+s14+$0x0] =	vst.idx.msk $0xffff, v2  }
0x92: {  	v2 =	vld.idx.msk [tilespmem:v3+s14+$0x0], $0xffff;
	_ =	sdelay $0x2  }
0x93: {  	v5 =	vor.u32 $0xE, v4;
	_ =	sdelay $0x1  }
0x94: {  	v2 =	vmul.f32 v2, v6;
	_ =	sdelay $0x1  }
0x95: {  	[tilespmem:v3+s14+$0x0] =	vst.idx.msk $0xffff, v2  }
0x96: {  	v2 =	vld.idx.msk [tilespmem:v5+s14+$0x0], $0xffff;
	_ =	sdelay $0x1  }
0x97: {  	s31 =	simm.s32 $0x10  }
0x98: {  	v4 =	vor.u32 $0xF, v4;
	v3 =	vor.u32 s31, v0  }
0x99: {  	v7 =	vmulhi.u32 $0x4EC4EC4F, v3  }
0x9a: {  	v2 =	vmul.f32 v2, v6  }
0x9b: {  	v7 =	vshrl.u32 v7, $0x2  }
0x9c: {  	[tilespmem:v5+s14+$0x0] =	vst.idx.msk $0xffff, v2;
	v2 =	vmul.u32 $0xFFFFFFF3, v7  }
0x9d: {  	v63 =	vld.idx.msk [tilespmem:v4+s14+$0x0], $0xffff  }
0x9e: {  	v2 =	vadd.s32 v3, v2  }
0x9f: {  	v5 =	vand.u32 $0xF8, v7;
	v2 =	vshll.u32 v2, $0x7  }
0xa0: {  	v7 =	vand.u32 $0x7, v7;
	v5 =	vadd.s32 v5, v2;
	v2 =	vshll.u32 v3, $0x4  }
0xa1: {  	v5 =	vor.u32 v7, v5  }
0xa2: {  	s17 =	simm.s32 $0x20;
	v3 =	vmul.f32 v63, v6  }
.LBB2_4:
0xa3: {  	_ = 	snop  }
0xa4: {  	p0 =	sne.s32 s17, $0x670;
	s18 =	smov.u32 s17;
	s17 =	sadd.s32 $0x10, s17;
	[tilespmem:v4+s14+$0x0] =	vst.idx.msk $0xffff, v3  }
0xa5: {  	v4 =	vld.idx.msk [tilespmem:v2+s14+$0x0], $0xffff  }
0xa6: {  	v3 =	vld.idx.msk [tilespmem:v5+s11+$0x0], $0xffff;
	_ =	sdelay $0x3  }
0xa7: {  	v5 =	vor.u32 $0x1, v2;
	_ =	sdelay $0x1  }
0xa8: {  	v4 =	vmul.f32 v4, v3;
	_ =	sdelay $0x1  }
0xa9: {  	[tilespmem:v2+s14+$0x0] =	vst.idx.msk $0xffff, v4  }
0xaa: {  	v4 =	vld.idx.msk [tilespmem:v5+s14+$0x0], $0xffff;
	_ =	sdelay $0x3  }
0xab: {  	v6 =	vor.u32 $0x2, v2;
	_ =	sdelay $0x1  }
0xac: {  	v4 =	vmul.f32 v4, v3;
	_ =	sdelay $0x1  }
0xad: {  	[tilespmem:v5+s14+$0x0] =	vst.idx.msk $0xffff, v4  }
0xae: {  	v4 =	vld.idx.msk [tilespmem:v6+s14+$0x0], $0xffff;
	_ =	sdelay $0x3  }
0xaf: {  	v5 =	vor.u32 $0x3, v2;
	_ =	sdelay $0x1  }
0xb0: {  	v4 =	vmul.f32 v4, v3;
	_ =	sdelay $0x1  }
0xb1: {  	[tilespmem:v6+s14+$0x0] =	vst.idx.msk $0xffff, v4  }
0xb2: {  	v4 =	vld.idx.msk [tilespmem:v5+s14+$0x0], $0xffff;
	_ =	sdelay $0x3  }
0xb3: {  	v6 =	vor.u32 $0x4, v2;
	_ =	sdelay $0x1  }
0xb4: {  	v4 =	vmul.f32 v4, v3;
	_ =	sdelay $0x1  }
0xb5: {  	[tilespmem:v5+s14+$0x0] =	vst.idx.msk $0xffff, v4  }
0xb6: {  	v4 =	vld.idx.msk [tilespmem:v6+s14+$0x0], $0xffff;
	_ =	sdelay $0x3  }
0xb7: {  	v5 =	vor.u32 $0x5, v2;
	_ =	sdelay $0x1  }
0xb8: {  	v4 =	vmul.f32 v4, v3;
	_ =	sdelay $0x1  }
0xb9: {  	[tilespmem:v6+s14+$0x0] =	vst.idx.msk $0xffff, v4  }
0xba: {  	v4 =	vld.idx.msk [tilespmem:v5+s14+$0x0], $0xffff;
	_ =	sdelay $0x3  }
0xbb: {  	v6 =	vor.u32 $0x6, v2;
	_ =	sdelay $0x1  }
0xbc: {  	v4 =	vmul.f32 v4, v3;
	_ =	sdelay $0x1  }
0xbd: {  	[tilespmem:v5+s14+$0x0] =	vst.idx.msk $0xffff, v4  }
0xbe: {  	v4 =	vld.idx.msk [tilespmem:v6+s14+$0x0], $0xffff;
	_ =	sdelay $0x3  }
0xbf: {  	v5 =	vor.u32 $0x7, v2;
	_ =	sdelay $0x1  }
0xc0: {  	v4 =	vmul.f32 v4, v3;
	_ =	sdelay $0x1  }
0xc1: {  	[tilespmem:v6+s14+$0x0] =	vst.idx.msk $0xffff, v4  }
0xc2: {  	v4 =	vld.idx.msk [tilespmem:v5+s14+$0x0], $0xffff;
	_ =	sdelay $0x3  }
0xc3: {  	v6 =	vor.u32 $0x8, v2;
	_ =	sdelay $0x1  }
0xc4: {  	v4 =	vmul.f32 v4, v3;
	_ =	sdelay $0x1  }
0xc5: {  	[tilespmem:v5+s14+$0x0] =	vst.idx.msk $0xffff, v4  }
0xc6: {  	v4 =	vld.idx.msk [tilespmem:v6+s14+$0x0], $0xffff;
	_ =	sdelay $0x3  }
0xc7: {  	v5 =	vor.u32 $0x9, v2;
	_ =	sdelay $0x1  }
0xc8: {  	v4 =	vmul.f32 v4, v3;
	_ =	sdelay $0x1  }
0xc9: {  	[tilespmem:v6+s14+$0x0] =	vst.idx.msk $0xffff, v4  }
0xca: {  	v4 =	vld.idx.msk [tilespmem:v5+s14+$0x0], $0xffff;
	_ =	sdelay $0x3  }
0xcb: {  	v6 =	vor.u32 $0xA, v2;
	_ =	sdelay $0x1  }
0xcc: {  	v4 =	vmul.f32 v4, v3;
	_ =	sdelay $0x1  }
0xcd: {  	[tilespmem:v5+s14+$0x0] =	vst.idx.msk $0xffff, v4  }
0xce: {  	v4 =	vld.idx.msk [tilespmem:v6+s14+$0x0], $0xffff;
	_ =	sdelay $0x3  }
0xcf: {  	v5 =	vor.u32 $0xB, v2;
	_ =	sdelay $0x1  }
0xd0: {  	v4 =	vmul.f32 v4, v3;
	_ =	sdelay $0x1  }
0xd1: {  	[tilespmem:v6+s14+$0x0] =	vst.idx.msk $0xffff, v4  }
0xd2: {  	v4 =	vld.idx.msk [tilespmem:v5+s14+$0x0], $0xffff;
	_ =	sdelay $0x3  }
0xd3: {  	v6 =	vor.u32 $0xC, v2;
	_ =	sdelay $0x1  }
0xd4: {  	v4 =	vmul.f32 v4, v3;
	_ =	sdelay $0x1  }
0xd5: {  	[tilespmem:v5+s14+$0x0] =	vst.idx.msk $0xffff, v4  }
0xd6: {  	v4 =	vld.idx.msk [tilespmem:v6+s14+$0x0], $0xffff;
	_ =	sdelay $0x3  }
0xd7: {  	v5 =	vor.u32 $0xD, v2;
	_ =	sdelay $0x1  }
0xd8: {  	v4 =	vmul.f32 v4, v3;
	_ =	sdelay $0x1  }
0xd9: {  	[tilespmem:v6+s14+$0x0] =	vst.idx.msk $0xffff, v4  }
0xda: {  	v4 =	vld.idx.msk [tilespmem:v5+s14+$0x0], $0xffff;
	_ =	sdelay $0x3  }
0xdb: {  	v6 =	vor.u32 $0xE, v2;
	_ =	sdelay $0x1  }
0xdc: {  	v4 =	vmul.f32 v4, v3;
	_ =	sdelay $0x1  }
0xdd: {  	[tilespmem:v5+s14+$0x0] =	vst.idx.msk $0xffff, v4  }
0xde: {  	v5 =	vld.idx.msk [tilespmem:v6+s14+$0x0], $0xffff;
	_ =	sdelay $0x3  }
0xdf: {  	v4 =	vor.u32 $0xF, v2  }
0xe0: {  	v2 =	vor.u32 s18, v0  }
0xe1: {  	v7 =	vmulhi.u32 $0x4EC4EC4F, v2;
	v5 =	vmul.f32 v5, v3;
	_ =	sdelay $0x1  }
0xe2: {  	v7 =	vshrl.u32 v7, $0x2;
	[tilespmem:v6+s14+$0x0] =	vst.idx.msk $0xffff, v5  }
0xe3: {  	v5 =	vmul.u32 $0xFFFFFFF3, v7;
	v6 =	vld.idx.msk [tilespmem:v4+s14+$0x0], $0xffff;
	_ =	sdelay $0x1  }
.Ltmp1:
0xe4: {  	v5 =	vadd.s32 v2, v5;
	(pc) =	sbr.rel @p0 .LBB2_4-.Ltmp1, $4  }
0xe5: {  	v8 =	vand.u32 $0xF8, v7;
	v5 =	vshll.u32 v5, $0x7  }
0xe6: {  	v7 =	vand.u32 $0x7, v7;
	v2 =	vshll.u32 v2, $0x4;
	v5 =	vadd.s32 v8, v5  }
0xe7: {  	v5 =	vor.u32 v7, v5  }
0xe8: {  	v3 =	vmul.f32 v6, v3  }
0xe9: {  	_ =	sdelay $0x3  }
0xea: {  	[tilespmem:v4+s14+$0x0] =	vst.idx.msk $0xffff, v3  }
0xeb: {  	v3 =	vld.idx.msk [tilespmem:v2+s14+$0x0], $0xffff  }
0xec: {  	v4 =	vld.idx.msk [tilespmem:v5+s11+$0x0], $0xffff;
	_ =	sdelay $0x2  }
0xed: {  	v51 =	vor.u32 $0x1, v2;
	_ =	sdelay $0x1  }
0xee: {  	v3 =	vmul.f32 v3, v4;
	_ =	sdelay $0x1  }
0xef: {  	[tilespmem:v2+s14+$0x0] =	vst.idx.msk $0xffff, v3  }
0xf0: {  	v3 =	vld.idx.msk [tilespmem:v51+s14+$0x0], $0xffff;
	_ =	sdelay $0x2  }
0xf1: {  	v6 =	vor.u32 $0x2, v2;
	_ =	sdelay $0x1  }
0xf2: {  	v3 =	vmul.f32 v3, v4;
	_ =	sdelay $0x1  }
0xf3: {  	[tilespmem:v51+s14+$0x0] =	vst.idx.msk $0xffff, v3  }
0xf4: {  	v3 =	vld.idx.msk [tilespmem:v6+s14+$0x0], $0xffff;
	_ =	sdelay $0x2  }
0xf5: {  	v52 =	vor.u32 $0x3, v2;
	_ =	sdelay $0x1  }
0xf6: {  	v3 =	vmul.f32 v3, v4;
	_ =	sdelay $0x1  }
0xf7: {  	[tilespmem:v6+s14+$0x0] =	vst.idx.msk $0xffff, v3  }
0xf8: {  	v3 =	vld.idx.msk [tilespmem:v52+s14+$0x0], $0xffff;
	_ =	sdelay $0x2  }
0xf9: {  	v53 =	vor.u32 $0x4, v2;
	_ =	sdelay $0x1  }
0xfa: {  	v3 =	vmul.f32 v3, v4;
	_ =	sdelay $0x1  }
0xfb: {  	[tilespmem:v52+s14+$0x0] =	vst.idx.msk $0xffff, v3  }
0xfc: {  	v3 =	vld.idx.msk [tilespmem:v53+s14+$0x0], $0xffff;
	_ =	sdelay $0x2  }
0xfd: {  	v54 =	vor.u32 $0x5, v2;
	_ =	sdelay $0x1  }
0xfe: {  	v3 =	vmul.f32 v3, v4;
	_ =	sdelay $0x1  }
0xff: {  	[tilespmem:v53+s14+$0x0] =	vst.idx.msk $0xffff, v3  }
0x100: {  	v3 =	vld.idx.msk [tilespmem:v54+s14+$0x0], $0xffff;
	_ =	sdelay $0x2  }
0x101: {  	v55 =	vor.u32 $0x6, v2;
	_ =	sdelay $0x1  }
0x102: {  	v3 =	vmul.f32 v3, v4;
	_ =	sdelay $0x1  }
0x103: {  	[tilespmem:v54+s14+$0x0] =	vst.idx.msk $0xffff, v3  }
0x104: {  	v3 =	vld.idx.msk [tilespmem:v55+s14+$0x0], $0xffff;
	_ =	sdelay $0x2  }
0x105: {  	v56 =	vor.u32 $0x7, v2;
	_ =	sdelay $0x1  }
0x106: {  	v3 =	vmul.f32 v3, v4;
	_ =	sdelay $0x1  }
0x107: {  	[tilespmem:v55+s14+$0x0] =	vst.idx.msk $0xffff, v3  }
0x108: {  	v3 =	vld.idx.msk [tilespmem:v56+s14+$0x0], $0xffff;
	_ =	sdelay $0x2  }
0x109: {  	v57 =	vor.u32 $0x8, v2;
	_ =	sdelay $0x1  }
0x10a: {  	v3 =	vmul.f32 v3, v4;
	_ =	sdelay $0x1  }
0x10b: {  	[tilespmem:v56+s14+$0x0] =	vst.idx.msk $0xffff, v3  }
0x10c: {  	v3 =	vld.idx.msk [tilespmem:v57+s14+$0x0], $0xffff;
	_ =	sdelay $0x2  }
0x10d: {  	v58 =	vor.u32 $0x9, v2;
	_ =	sdelay $0x1  }
0x10e: {  	v3 =	vmul.f32 v3, v4;
	_ =	sdelay $0x1  }
0x10f: {  	[tilespmem:v57+s14+$0x0] =	vst.idx.msk $0xffff, v3  }
0x110: {  	v3 =	vld.idx.msk [tilespmem:v58+s14+$0x0], $0xffff;
	_ =	sdelay $0x2  }
0x111: {  	v59 =	vor.u32 $0xA, v2;
	_ =	sdelay $0x1  }
0x112: {  	v3 =	vmul.f32 v3, v4;
	_ =	sdelay $0x1  }
0x113: {  	[tilespmem:v58+s14+$0x0] =	vst.idx.msk $0xffff, v3  }
0x114: {  	v3 =	vld.idx.msk [tilespmem:v59+s14+$0x0], $0xffff;
	_ =	sdelay $0x2  }
0x115: {  	v60 =	vor.u32 $0xB, v2;
	_ =	sdelay $0x1  }
0x116: {  	v3 =	vmul.f32 v3, v4;
	_ =	sdelay $0x1  }
0x117: {  	[tilespmem:v59+s14+$0x0] =	vst.idx.msk $0xffff, v3  }
0x118: {  	v3 =	vld.idx.msk [tilespmem:v60+s14+$0x0], $0xffff;
	_ =	sdelay $0x2  }
0x119: {  	v61 =	vor.u32 $0xC, v2;
	_ =	sdelay $0x1  }
0x11a: {  	v3 =	vmul.f32 v3, v4;
	_ =	sdelay $0x1  }
0x11b: {  	[tilespmem:v60+s14+$0x0] =	vst.idx.msk $0xffff, v3  }
0x11c: {  	v3 =	vld.idx.msk [tilespmem:v61+s14+$0x0], $0xffff;
	_ =	sdelay $0x2  }
0x11d: {  	v62 =	vor.u32 $0xD, v2;
	_ =	sdelay $0x1  }
0x11e: {  	v3 =	vmul.f32 v3, v4;
	_ =	sdelay $0x1  }
0x11f: {  	[tilespmem:v61+s14+$0x0] =	vst.idx.msk $0xffff, v3  }
0x120: {  	v3 =	vld.idx.msk [tilespmem:v62+s14+$0x0], $0xffff;
	_ =	sdelay $0x2  }
0x121: {  	v63 =	vor.u32 $0xE, v2;
	_ =	sdelay $0x1  }
0x122: {  	v3 =	vmul.f32 v3, v4;
	_ =	sdelay $0x1  }
0x123: {  	[tilespmem:v62+s14+$0x0] =	vst.idx.msk $0xffff, v3  }
0x124: {  	v3 =	vld.idx.msk [tilespmem:v63+s14+$0x0], $0xffff;
	_ =	sdelay $0x2  }
0x125: {  	v2 =	vor.u32 $0xF, v2;
	_ =	sdelay $0x1  }
0x126: {  	v3 =	vmul.f32 v3, v4;
	_ =	sdelay $0x1  }
0x127: {  	[tilespmem:v63+s14+$0x0] =	vst.idx.msk $0xffff, v3  }
0x128: {  	v3 =	vld.idx.msk [tilespmem:v2+s14+$0x0], $0xffff;
	_ =	sdelay $0x4  }
0x129: {  	s16 =	sadd.s32 $0x1, s16;
	v3 =	vmul.f32 v3, v4  }
0x12a: {  	p0 =	sne.s32 s16, s7  }
.Ltmp2:
0x12b: {  	[tilespmem:v2+s14+$0x0] =	vst.idx.msk $0xffff, v3;
	(pc) =	sbr.rel @p0 .LBB2_1-.Ltmp2, $4  }
0x12c: {  	[hbm4b:s6+s2] =	stream.linear.scatter [tilespmem:s14], [sflag:$0x2], $0x6800, $0x38;
	[tilespmem:$0xDD00] =	vst v63  }
0x12d: {  	_ =	swait.ge [sflag:s8], $0x6800  }
0x12e: {  	[sflag:s8] =	ssyncset.done $0x0  }
0x12f: {  	[sflag:s8] =	ssyncadd.s32 $0xFFFF9800  }
0x130: {  	_ =	sfence.sel $0x180000  }
0x131: {  	[bflag:$0x0] =	sbarrier.arrive $0xFFFF  }
0x132: {  	p0 =	sne.s32 s0, $0x0;
	_ =	strace $0x90000047  }
0x133: {  	s0 =	sadd.s32 @!p0 $0x100000, s1;
	[bflag:$0x2] =	sbarrier.arrive $0xFFFF  }
0x134: {  	[sflag:s0] =	ssyncadd.tile.s32 @!p0 $0x1;
	_ =	shalt  }
.Lfunc_end2:
_tile_overlayer_lowered:
.L_overlay_start_2:
0x135: {  	(tag) =	ssettag $0x2  }
0x136: {  	s0 =	rddreg [dreg:$0x0];
	s2 =	stileid.u32  }
0x137: {  	s1 =	rddreg [dreg:$0x1];
	p0 =	sne.s32 s2, $0x0  }
0x138: {  	s3 =	rddreg [dreg:$0x2];
	[bflag:$0x3] =	sbarrier.arrive $0xFFFF;
	s2 =	simm.s32 @!p0 $0x1C02  }
0x139: {  	[timem:s3], [sflag:s2] =	dma.local @!p0 [hbm:s0], s1  }
0x13a: {  	s0 =	simm.s32 @!p0 $0x2  }
0x13b: {  	_ =	swait.ge @!p0 [sflag:s0], s1  }
0x13c: {  	s1 =	ssub.s32 @!p0 $0x0, s1;
	[sflag:s0] =	ssyncset.done @!p0 $0x0  }
0x13d: {  	[sflag:s0] =	ssyncadd.s32 @!p0 s1  }
0x13e: {  	[bflag:$0x3] =	sbarrier.arrive $0xFFFF  }
0x13f: {  	_ =	shalt  }

// kernel: kernel.8.cloned.1.call-start
scs
__scs_entry_jumppad:
0x0: {  	(pc) =	sbr.rel $0x88, $3  }
0x1: {  	(tag) =	ssettag $0x0;
	lr =	simm.s32 $0x1  }
0x2: {  	[smem:$0x3F90] =	sst lr;
	_ =	strace $0xD0000000  }
0x3: {  	_ = 	snop  }
0x4: {  	_ = 	snop  }
0x5: {  	_ = 	snop  }
0x6: {  	_ = 	snop  }
0x7: {  	_ = 	snop  }
__scs_overlays_trampoline_lowered:
0x8: {  	[smem:$0x3F9F] =	sst s0  }
0x9: {  	[smem:$0x3FA0] =	sst s1  }
0xa: {  	[smem:$0x3FA1] =	sst s2  }
0xb: {  	[smem:$0x3FA2] =	sst s3  }
0xc: {  	[smem:$0x3FA3] =	sst s4  }
0xd: {  	[smem:$0x3FA4] =	sst s5  }
0xe: {  	[smem:$0x3FA5] =	sst s6  }
0xf: {  	[smem:$0x3FA6] =	sst s7  }
0x10: {  	[smem:$0x3FA7] =	sst s8  }
0x11: {  	[smem:$0x3FA8] =	sst s9;
	s0 =	simm.s32 @!p0 $0x0  }
0x12: {  	s1 =	sld [smem:$0x3F8E];
	s0 =	simm.s32 @p0 $0x1  }
0x13: {  	[smem:$0x3FA9] =	sst s0;
	s0 =	simm.s32 @!p1 $0x0  }
0x14: {  	s2 =	sld [smem:$0x3F8D];
	s0 =	simm.s32 @p1 $0x1  }
0x15: {  	[smem:$0x3FAA] =	sst s0;
	s0 =	simm.s32 @!p2 $0x0  }
0x16: {  	s3 =	sld [smem:$0x3FDB];
	s0 =	simm.s32 @p2 $0x1  }
0x17: {  	s4 =	simm.s32 $0x1BF5;
	[smem:$0x3FAC] =	sst s0  }
0x18: {  	s0 =	sld [smem:$0x3F8F];
	_ =	swait.ge [sflag:s4], $0x0  }
0x19: {  	s7 =	sld [smem:$0x3F90]  }
0x1a: {  	s8 =	sadd.s32 $0xFFFFE003, lr  }
0x1b: {  	s9 =	sadd.s32 $0xFFFFFEF7, lr;
	s5 =	simm.s32 $0xFFFFFFFF;
	p2 =	slt.u32 s8, $0xFFFFF086  }
0x1c: {  	p1 =	slt.u32 s9, $0xF7A;
	s5 =	simm.s32 @!p2 $0x0  }
0x1d: {  	s5 =	simm.s32 @p1 $0x1;
	p0 =	seq.s32 s7, s2  }
0x1e: {  	s7 =	smul.u32 @!p0 $0xF7A, s2;
	p2 =	seq.s32 @!p0 s5, $0x0  }
0x1f: {  	s9 =	smul.u32 $0xF7A, s1;
	s8 =	simm.s32 @!p0 $0x1BF5;
	p2 =	por !p2, p0  }
0x20: {  	[sflag:s8] =	ssyncset.s32 @!p0 $0xFFFFF086;
	s6 =	sadd.s32 @!p0 s3, s7;
	s7 =	simm.s32 @!p0 $0x108  }
0x21: {  	s3 =	sadd.s32 s3, s9;
	s6 =	sadd.s32 @!p0 $0x88, s6;
	s7 =	simm.s32 @p2 $0x1082  }
0x22: {  	[simem:s7], [sflag:s8] =	dma.local @!p0 [hbm:s6], $0xF7A  }
0x23: {  	s9 =	sor.u32 $0xD0000000, s2;
	s6 =	simm.s32 $0x108;
	_ =	swait.ge @!p0 [sflag:s8], $0x0  }
0x24: {  	s3 =	sadd.s32 $0x88, s3;
	s6 =	simm.s32 @!p1 $0x1082;
	[sflag:s4] =	ssyncset.s32 $0xFFFFF086  }
0x25: {  	[simem:s6], [sflag:s4] =	dma.local [hbm:s3], $0xF7A  }
0x26: {  	[smem:$0x3F90] =	sst s1;
	(tag) =	ssettag s2;
	_ =	strace s9  }
0x27: {  	s1 =	sld [smem:$0x3FA0]  }
0x28: {  	s2 =	sld [smem:$0x3FA1]  }
0x29: {  	s4 =	sld [smem:$0x3FA3]  }
0x2a: {  	p0 =	seq.s32 s5, $0x0;
	s5 =	sld [smem:$0x3FA4]  }
0x2b: {  	s6 =	sld [smem:$0x3FA5]  }
0x2c: {  	s7 =	sld [smem:$0x3FA6]  }
0x2d: {  	s3 =	simm.s32 $0x108;
	s8 =	sld [smem:$0x3FA7]  }
0x2e: {  	s3 =	simm.s32 @!p0 $0x1082;
	s9 =	sld [smem:$0x3FA8]  }
0x2f: {  	lr =	sadd.s32 s0, s3;
	s0 =	sld [smem:$0x3F9F]  }
0x30: {  	s3 =	sld [smem:$0x3FA2]  }
0x31: {  	[smem:$0x3FAB] =	sst s10  }
0x32: {  	s10 =	sld [smem:$0x3FA9];
	_ =	sdelay $0x3  }
0x33: {  	p0 =	seq.s32 s10, $0x1;
	s10 =	sld [smem:$0x3FAB];
	_ =	sdelay $0x3  }
0x34: {  	[smem:$0x3FAB] =	sst s10  }
0x35: {  	s10 =	sld [smem:$0x3FAA];
	_ =	sdelay $0x3  }
0x36: {  	p1 =	seq.s32 s10, $0x1;
	s10 =	sld [smem:$0x3FAB];
	_ =	sdelay $0x3  }
0x37: {  	[smem:$0x3FAB] =	sst s10  }
0x38: {  	s10 =	sld [smem:$0x3FAC]  }
0x39: {  	_ = 	snop;
	(pc) =	sbr.ind lr, $3  }
0x3a: {  	_ = 	snop  }
0x3b: {  	_ = 	snop  }
0x3c: {  	p2 =	seq.s32 s10, $0x1;
	s10 =	sld [smem:$0x3FAB]  }
0x3d: {  	_ =	shalt  }
0x3e: {  	_ =	shalt  }
0x3f: {  	_ =	shalt  }
0x40: {  	_ =	shalt  }
0x41: {  	_ =	shalt  }
0x42: {  	_ =	shalt  }
0x43: {  	_ =	shalt  }
0x44: {  	_ =	shalt  }
0x45: {  	_ =	shalt  }
0x46: {  	_ =	shalt  }
0x47: {  	_ =	shalt  }
0x48: {  	_ =	shalt  }
0x49: {  	_ =	shalt  }
0x4a: {  	_ =	shalt  }
0x4b: {  	_ =	shalt  }
0x4c: {  	_ =	shalt  }
0x4d: {  	_ =	shalt  }
0x4e: {  	_ =	shalt  }
0x4f: {  	_ =	shalt  }
0x50: {  	_ =	shalt  }
0x51: {  	_ =	shalt  }
0x52: {  	_ =	shalt  }
0x53: {  	_ =	shalt  }
0x54: {  	_ =	shalt  }
0x55: {  	_ =	shalt  }
0x56: {  	_ =	shalt  }
0x57: {  	_ =	shalt  }
0x58: {  	_ =	shalt  }
0x59: {  	_ =	shalt  }
0x5a: {  	_ =	shalt  }
0x5b: {  	_ =	shalt  }
0x5c: {  	_ =	shalt  }
0x5d: {  	_ =	shalt  }
0x5e: {  	_ =	shalt  }
0x5f: {  	_ =	shalt  }
0x60: {  	_ =	shalt  }
0x61: {  	_ =	shalt  }
0x62: {  	_ =	shalt  }
0x63: {  	_ =	shalt  }
0x64: {  	_ =	shalt  }
0x65: {  	_ =	shalt  }
0x66: {  	_ =	shalt  }
0x67: {  	_ =	shalt  }
0x68: {  	_ =	shalt  }
0x69: {  	_ =	shalt  }
0x6a: {  	_ =	shalt  }
0x6b: {  	_ =	shalt  }
0x6c: {  	_ =	shalt  }
0x6d: {  	_ =	shalt  }
0x6e: {  	_ =	shalt  }
0x6f: {  	_ =	shalt  }
0x70: {  	_ =	shalt  }
0x71: {  	_ =	shalt  }
0x72: {  	_ =	shalt  }
0x73: {  	_ =	shalt  }
0x74: {  	_ =	shalt  }
0x75: {  	_ =	shalt  }
0x76: {  	_ =	shalt  }
0x77: {  	_ =	shalt  }
0x78: {  	_ =	shalt  }
0x79: {  	_ =	shalt  }
0x7a: {  	_ =	shalt  }
0x7b: {  	_ =	shalt  }
0x7c: {  	_ =	shalt  }
0x7d: {  	_ =	shalt  }
0x7e: {  	_ =	shalt  }
0x7f: {  	_ =	shalt  }
0x80: {  	_ =	shalt  }
0x81: {  	_ =	shalt  }
0x82: {  	_ =	shalt  }
0x83: {  	_ =	shalt  }
0x84: {  	_ =	shalt  }
0x85: {  	_ =	shalt  }
0x86: {  	_ =	shalt  }
0x87: {  	_ =	shalt  }
.Lfunc_end0:
.L_simem_size_0:
called_computation.1_lowered:
.L_overlay_start_0:
0x88: {  	s2 =	sld [smem:$0x3FD9]  }
0x89: {  	s3 =	sld [smem:$0x3FFE];
	_ =	sdelay $0x1  }
0x8a: {  	s1 =	srdreg.scid  }
0x8b: {  	s0 =	sand.u32 $0x1, s1  }
0x8c: {  	s17 =	sshll.u32 s0, $0xA;
	s2 =	sadd.s32 s3, s2  }
0x8d: {  	s2 =	sadd.s32 s2, s17  }
0x8e: {  	[smem:$0x3FB7] =	sst s2  }
0x8f: {  	_ = 	snop  }
0x90: {  	(tm) =	ssettm $0x1  }
0x91: {  	s18 =	sld [smem:$0x3FFB];
	_ =	sdelay $0x3  }
0x92: {  	_ =	strace s18  }
0x93: {  	s2 =	sld [smem:$0x3FFC];
	_ =	sdelay $0x3  }
0x94: {  	_ =	strace s2  }
0x95: {  	s2 =	sld [smem:$0x3FFD];
	_ =	sdelay $0x3  }
0x96: {  	_ =	strace s2  }
0x97: {  	_ =	strace $0x8FFFFFFF  }
0x98: {  	s19 =	sld [smem:$0x3FDB];
	_ =	sdelay $0x1  }
0x99: {  	s20 =	simm.s32 $_scs_section_size  }
0x9a: {  	s4 =	simm.s32 $_size__tile_overlayer_lowered;
	s5 =	simm.s32 $_tile_overlayer_lowered  }
0x9b: {  	s6 =	simm.s32 $0x1BFF;
	s21 =	sshll.u32 s5, $0x1;
	s3 =	sadd.s32 s20, s19  }
0x9c: {  	s22 =	simm.s32 $0x0;
	s4 =	sshll.u32 s4, $0x1;
	s5 =	sadd.s32 s21, s3  }
0x9d: {  	[timem:s22], [sflag:s6] =	dma.local [hbm:s5], s4  }
0x9e: {  	_ =	swait.ge [sflag:s6], s4  }
0x9f: {  	s4 =	ssub.s32 $0x0, s4;
	[sflag:s6] =	ssyncset.done $0x0  }
0xa0: {  	[sflag:s6] =	ssyncadd.s32 s4;
	_ =	sdelay $0x1  }
0xa1: {  	s23 =	simm.s32 $0x1B8B  }
0xa2: {  	_ =	swait.ge [sflag:s23], $0x1  }
0xa3: {  	[sflag:s23] =	ssyncset.done $0x0  }
0xa4: {  	[sflag:s23] =	ssyncadd.s32 $0xFFFFFFFF  }
0xa5: {  	s4 =	sld [smem:$0x0]  }
0xa6: {  	s5 =	sand.u32 $0xFFFFFFFE, s1  }
0xa7: {  	p0 =	sne.s32 s1, s5  }
0xa8: {  	s5 =	sshll.u32 @p0 s5, $0xE  }
0xa9: {  	s5 =	sadd.s32 @p0 $0x11B8D, s5;
	s6 =	sshll.u32 @p0 s4, $0x11  }
0xaa: {  	s5 =	sor.u32 @p0 s6, s5  }
0xab: {  	[sflag:s5] =	ssyncadd.remote.s32 @p0 $0x1;
	_ =	sdelay $0x1  }
0xac: {  	s5 =	simm.s32 @p0 $0x1B8D  }
0xad: {  	_ =	swait.eq @p0 [sflag:s5], $0x1  }
0xae: {  	[sflag:s5] =	ssyncadd.s32 @p0 $0xFFFFFFFF  }
0xaf: {  	s6 =	sshll.u32 @!p0 s1, $0xE  }
0xb0: {  	s6 =	sor.u32 @!p0 $0x4000, s6;
	s5 =	simm.s32 @!p0 $0x1B8D  }
0xb1: {  	s4 =	sshll.u32 @!p0 s4, $0x11;
	s6 =	sadd.s32 @!p0 $0x11B8D, s6;
	_ =	swait.eq @!p0 [sflag:s5], $0x1  }
0xb2: {  	s4 =	sor.u32 @!p0 s4, s6;
	[sflag:s5] =	ssyncadd.s32 @!p0 $0xFFFFFFFF  }
0xb3: {  	s25 =	simm.s32 $0x1B8E;
	s24 =	sld [smem:$0x3FFE];
	[sflag:s4] =	ssyncadd.remote.s32 @!p0 $0x1  }
0xb4: {  	s26 =	simm.s32 $execute0_lowered;
	[smem:$0x3FD2] =	sst s25  }
0xb5: {  	s5 =	sshll.u32 s26, $0x1;
	_ =	strace $0x80000049;
	[dreg:$0x1] =	wrdreg $0xFFFFFFFF  }
0xb6: {  	s28 =	simm.s32 $_size_execute0_lowered;
	s3 =	sadd.s32 s3, s5;
	[dreg:$0x0] =	wrdreg $0x0  }
0xb7: {  	s5 =	sshll.u32 s28, $0x1;
	[dreg:$0x2] =	wrdreg s3  }
0xb8: {  	[dreg:$0x3] =	wrdreg s5  }
0xb9: {  	[dreg:$0x4] =	wrdreg $0xC0  }
0xba: {  	_ =	task [dreg:s22], $0x5FFFF  }
0xbb: {  	[dreg:$0x1] =	wrdreg $0xFFFFFFFF  }
0xbc: {  	[dreg:$0x0] =	wrdreg $0x60  }
0xbd: {  	[dreg:$0x2] =	wrdreg s24  }
0xbe: {  	[dreg:$0x3] =	wrdreg $0xA  }
0xbf: {  	_ =	task.clear_ibuf [dreg:s22], $0x4FFFF;
	_ =	strace $0x90000049  }
0xc0: {  	s29 =	simm.s32 $0xA;
	_ =	strace $0x8000004B  }
0xc1: {  	_ =	swait.ge [sflag:s29], $0x1  }
0xc2: {  	[sflag:s29] =	ssyncadd.s32 $0xFFFFFFFF  }
0xc3: {  	_ =	strace $0x9000004B  }
0xc4: {  	_ =	sfence  }
0xc5: {  	s30 =	sld [smem:$0x0];
	_ =	sdelay $0x2  }
0xc6: {  	s31 =	sshll.u32 s1, $0xD;
	s1 =	sshrl.u32 s1, $0x2  }
0xc7: {  	s4 =	sand.u32 $0x4000, s31;
	s1 =	sadd.s32 s1, s30  }
0xc8: {  	s0 =	sor.u32 s4, s0;
	s1 =	sshll.u32 s1, $0x11  }
0xc9: {  	s0 =	sor.u32 s1, s0  }
0xca: {  	s0 =	sadd.s32 $0x8F2B, s0  }
0xcb: {  	[sflag:s0] =	ssyncadd.remote.s32 $0x1  }
0xcc: {  	_ =	sfence.sel $0xFFFF  }
0xcd: {  	[dreg:$0x0] =	wrdreg $0xFFFFFFFF;
	(pc) =	sbr.abs _section_cstart, $3  }
0xce: {  	[dreg:$0x1] =	wrdreg $0xFFFFFFFF  }
0xcf: {  	_ =	task.clear_ibuf [dreg:s22], $0x2FFFF;
	_ =	strace $0x9FFFFFFF  }
0xd0: {  	(tm) =	ssettm $0x7FFFFFFF  }
0xd1: {  	_ =	shalt  }
tec
execute0_lowered:
.L_overlay_start_1:
0x0: {  	(tag) =	ssettag $0x1  }
0x1: {  	s1 =	srdreg.scid  }
0x2: {  	s0 =	stileid.u32;
	s4 =	rddreg [dreg:$0x0]  }
0x3: {  	s2 =	simm.s32 $0x0;
	s11 =	simm.s32 $0x680;
	s12 =	simm.s32 $0xD00  }
0x4: {  	s13 =	simm.s32 $0x6800;
	s14 =	simm.s32 $0x7500;
	s15 =	simm.s32 $0x1  }
0x5: {  	s3 =	sand.u32 $0x1, s1;
	s31 =	sshll.u32 s0, $0x1;
	s1 =	rddreg [dreg:$0x1]  }
0x6: {  	s16 =	simm.s32 $0x0;
	[smem:$0x7FF] =	sst s2;
	s5 =	sor.u32 s3, s31  }
0x7: {  	_ =	strace $0x8000004A;
	s8 =	ssub.s32 $0x2, s3;
	s6 =	smul.u32 $0xD0, s5  }
0x8: {  	s7 =	sshll.u32 s5, $0x4;
	s5 =	smul.u32 $0xD00, s5;
	s9 =	sshrl.u32 s8, $0x1  }
0x9: {  	s3 =	sadd.s32 $0x29E600, s4;
	s7 =	sadd.s32 s7, s4;
	s8 =	ssub.s32 s8, s9  }
0xa: {  	s9 =	simm.s32 $0x80;
	s6 =	sadd.s32 s6, s4;
	s10 =	sadd.s32 s5, s4  }
0xb: {  	v0 =	vlaneseq.u32;
	s5 =	sadd.s32 $0x4A00, s7;
	s7 =	smax.u32 s8, $0x1;
	s8 =	simm.s32 $0x2  }
0xc: {  	v1 =	vor.u32 $0xFFFFFFF8, v0;
	s4 =	sadd.s32 $0x7E00, s6;
	s6 =	sadd.s32 $0x519400, s10;
	s10 =	simm.s32 $0x1000  }
.LBB2_1:
0xd: {  	[tilespmem:s2], [sflag:$0x2] =	stream.linear.gather [hbm4b:s4+s2], $0x680, $0x38;
	[tilespmem:$0xDD00] =	vst v63  }
0xe: {  	_ =	swait.ge [sflag:s8], $0x680  }
0xf: {  	v2 =	vor.u32 s2, v0;
	[sflag:s8] =	ssyncset.done $0x0  }
0x10: {  	v3 =	vand.u32 v1, v2;
	[sflag:s8] =	ssyncadd.s32 $0xFFFFF980  }
0x11: {  	[tilespmem:s11], [sflag:$0x2] =	stream.strided.gather [hbm4b:s5+s9], $0x680, s10, s9, $0x38;
	[tilespmem:$0xDD00] =	vst v63  }
0x12: {  	v4 =	vmulhi.u32 $0x4EC4EC4F, v2;
	_ =	swait.ge [sflag:s8], $0x680  }
0x13: {  	[sflag:s8] =	ssyncset.done $0x0  }
0x14: {  	v4 =	vshrl.u32 v4, $0x2;
	[sflag:s8] =	ssyncadd.s32 $0xFFFFF980  }
0x15: {  	v4 =	vmul.u32 $0xD, v4;
	v3 =	vld.idx.msk [tilespmem:v3+s2+$0x0], $0xffff  }
0x16: {  	v5 =	vshll.u32 v2, $0x4  }
0x17: {  	v2 =	vsub.s32 v2, v4;
	v4 =	vor.u32 $0x1, v5  }
0x18: {  	v6 =	vor.u32 $0x2, v5;
	v2 =	vmul.u32 $0x186A00, v2  }
0x19: {  	v7 =	vor.u32 $0x3, v5  }
0x1a: {  	v8 =	vadd.s32 v2, v3;
	v2 =	vor.u32 $0x4, v5  }
0x1b: {  	v9 =	vor.u32 $0x5, v5;
	[tilespmem:v5+s12+$0x0] =	vst.idx.msk $0xffff, v8;
	v3 =	vadd.s32 $0x186A0, v8  }
0x1c: {  	[tilespmem:v4+s12+$0x0] =	vst.idx.msk $0xffff, v3;
	v3 =	vadd.s32 $0x30D40, v8;
	v4 =	vor.u32 $0x6, v5  }
0x1d: {  	[tilespmem:v6+s12+$0x0] =	vst.idx.msk $0xffff, v3;
	v3 =	vadd.s32 $0x493E0, v8;
	v6 =	vor.u32 $0x7, v5  }
0x1e: {  	[tilespmem:v7+s12+$0x0] =	vst.idx.msk $0xffff, v3;
	v3 =	vadd.s32 $0x61A80, v8;
	v7 =	vor.u32 $0x8, v5  }
0x1f: {  	[tilespmem:v2+s12+$0x0] =	vst.idx.msk $0xffff, v3;
	v2 =	vadd.s32 $0x7A120, v8;
	v3 =	vor.u32 $0x9, v5  }
0x20: {  	v62 =	vor.u32 $0xA, v5;
	[tilespmem:v9+s12+$0x0] =	vst.idx.msk $0xffff, v2;
	v2 =	vadd.s32 $0x927C0, v8  }
0x21: {  	[tilespmem:v4+s12+$0x0] =	vst.idx.msk $0xffff, v2;
	v2 =	vadd.s32 $0xAAE60, v8;
	v4 =	vor.u32 $0xB, v5  }
0x22: {  	[tilespmem:v6+s12+$0x0] =	vst.idx.msk $0xffff, v2;
	v2 =	vadd.s32 $0xC3500, v8;
	v6 =	vor.u32 $0xC, v5  }
0x23: {  	[tilespmem:v7+s12+$0x0] =	vst.idx.msk $0xffff, v2;
	v2 =	vadd.s32 $0xDBBA0, v8;
	v7 =	vor.u32 $0xD, v5  }
0x24: {  	[tilespmem:v3+s12+$0x0] =	vst.idx.msk $0xffff, v2;
	v3 =	vadd.s32 $0xF4240, v8  }
0x25: {  	[tilespmem:v62+s12+$0x0] =	vst.idx.msk $0xffff, v3;
	v3 =	vadd.s32 $0x10C8E0, v8  }
0x26: {  	s17 =	simm.s32 $0x10;
	v10 =	vor.u32 $0xE, v5;
	[tilespmem:v4+s12+$0x0] =	vst.idx.msk $0xffff, v3;
	v3 =	vadd.s32 $0x124F80, v8  }
0x27: {  	v2 =	vor.u32 s17, v0;
	v4 =	vadd.s32 $0x13D620, v8;
	[tilespmem:v6+s12+$0x0] =	vst.idx.msk $0xffff, v3;
	v3 =	vor.u32 $0xF, v5  }
0x28: {  	v63 =	vmulhi.u32 $0x4EC4EC4F, v2;
	[tilespmem:v7+s12+$0x0] =	vst.idx.msk $0xffff, v4;
	v4 =	vand.u32 v1, v2;
	_ =	sdelay $0x1  }
0x29: {  	v5 =	vshrl.u32 v63, $0x2;
	v6 =	vadd.s32 $0x155CC0, v8  }
0x2a: {  	s17 =	simm.s32 $0x20;
	v5 =	vmul.u32 $0xD, v5;
	[tilespmem:v10+s12+$0x0] =	vst.idx.msk $0xffff, v6;
	v6 =	vadd.s32 $0x16E360, v8  }
.LBB2_2:
0x2b: {  	p0 =	sne.s32 s17, $0x670;
	[tilespmem:v3+s12+$0x0] =	vst.idx.msk $0xffff, v6;
	s18 =	smov.u32 s17;
	s17 =	sadd.s32 $0x10, s17  }
0x2c: {  	v3 =	vsub.s32 v2, v5;
	v4 =	vld.idx.msk [tilespmem:v4+s2+$0x0], $0xffff;
	_ =	sdelay $0x1  }
0x2d: {  	v5 =	vshll.u32 v2, $0x4  }
0x2e: {  	v2 =	vor.u32 $0x1, v5  }
0x2f: {  	v3 =	vmul.u32 $0x186A00, v3;
	v6 =	vor.u32 $0x2, v5  }
0x30: {  	v7 =	vor.u32 $0x3, v5  }
0x31: {  	v8 =	vadd.s32 v3, v4;
	v3 =	vor.u32 $0x4, v5  }
0x32: {  	v9 =	vor.u32 $0x5, v5;
	v4 =	vadd.s32 $0x186A0, v8;
	[tilespmem:v5+s12+$0x0] =	vst.idx.msk $0xffff, v8  }
0x33: {  	[tilespmem:v2+s12+$0x0] =	vst.idx.msk $0xffff, v4;
	v2 =	vadd.s32 $0x30D40, v8;
	v4 =	vor.u32 $0x6, v5  }
0x34: {  	[tilespmem:v6+s12+$0x0] =	vst.idx.msk $0xffff, v2;
	v2 =	vadd.s32 $0x493E0, v8;
	v6 =	vor.u32 $0x7, v5  }
0x35: {  	[tilespmem:v7+s12+$0x0] =	vst.idx.msk $0xffff, v2;
	v2 =	vadd.s32 $0x61A80, v8;
	v7 =	vor.u32 $0x8, v5  }
0x36: {  	[tilespmem:v3+s12+$0x0] =	vst.idx.msk $0xffff, v2;
	v2 =	vadd.s32 $0x7A120, v8;
	v3 =	vor.u32 $0x9, v5  }
0x37: {  	[tilespmem:v9+s12+$0x0] =	vst.idx.msk $0xffff, v2;
	v2 =	vadd.s32 $0x927C0, v8;
	v9 =	vor.u32 $0xA, v5  }
0x38: {  	v10 =	vor.u32 $0xB, v5;
	[tilespmem:v4+s12+$0x0] =	vst.idx.msk $0xffff, v2;
	v2 =	vadd.s32 $0xAAE60, v8  }
0x39: {  	[tilespmem:v6+s12+$0x0] =	vst.idx.msk $0xffff, v2;
	v2 =	vadd.s32 $0xC3500, v8;
	v6 =	vor.u32 $0xC, v5  }
0x3a: {  	[tilespmem:v7+s12+$0x0] =	vst.idx.msk $0xffff, v2;
	v2 =	vadd.s32 $0xDBBA0, v8;
	v7 =	vor.u32 $0xD, v5  }
0x3b: {  	v11 =	vor.u32 $0xE, v5;
	[tilespmem:v3+s12+$0x0] =	vst.idx.msk $0xffff, v2;
	v3 =	vadd.s32 $0xF4240, v8  }
.Ltmp0:
0x3c: {  	v2 =	vor.u32 s18, v0;
	[tilespmem:v9+s12+$0x0] =	vst.idx.msk $0xffff, v3;
	v9 =	vadd.s32 $0x10C8E0, v8;
	v3 =	vor.u32 $0xF, v5;
	(pc) =	sbr.rel @p0 .LBB2_2-.Ltmp0, $4  }
0x3d: {  	v5 =	vmulhi.u32 $0x4EC4EC4F, v2;
	v4 =	vand.u32 v1, v2;
	[tilespmem:v10+s12+$0x0] =	vst.idx.msk $0xffff, v9;
	v9 =	vadd.s32 $0x124F80, v8  }
0x3e: {  	[tilespmem:v6+s12+$0x0] =	vst.idx.msk $0xffff, v9;
	v6 =	vadd.s32 $0x13D620, v8  }
0x3f: {  	v5 =	vshrl.u32 v5, $0x2;
	[tilespmem:v7+s12+$0x0] =	vst.idx.msk $0xffff, v6;
	v6 =	vadd.s32 $0x155CC0, v8  }
0x40: {  	v5 =	vmul.u32 $0xD, v5;
	[tilespmem:v11+s12+$0x0] =	vst.idx.msk $0xffff, v6;
	v6 =	vadd.s32 $0x16E360, v8  }
0x41: {  	_ =	sdelay $0x3  }
0x42: {  	[tilespmem:v3+s12+$0x0] =	vst.idx.msk $0xffff, v6  }
0x43: {  	v3 =	vld.idx.msk [tilespmem:v4+s2+$0x0], $0xffff  }
0x44: {  	v4 =	vshll.u32 v2, $0x4  }
0x45: {  	v2 =	vsub.s32 v2, v5;
	v5 =	vor.u32 $0x1, v4  }
0x46: {  	v2 =	vmul.u32 $0x186A00, v2;
	v6 =	vor.u32 $0x2, v4  }
0x47: {  	v7 =	vor.u32 $0x3, v4  }
0x48: {  	v2 =	vadd.s32 v2, v3;
	v3 =	vor.u32 $0x4, v4  }
0x49: {  	v9 =	vor.u32 $0x5, v4;
	[tilespmem:v4+s12+$0x0] =	vst.idx.msk $0xffff, v2;
	v8 =	vadd.s32 $0x186A0, v2  }
0x4a: {  	v58 =	vor.u32 $0x6, v4;
	[tilespmem:v5+s12+$0x0] =	vst.idx.msk $0xffff, v8;
	v5 =	vadd.s32 $0x30D40, v2  }
0x4b: {  	[tilespmem:v6+s12+$0x0] =	vst.idx.msk $0xffff, v5;
	v5 =	vadd.s32 $0x493E0, v2;
	v6 =	vor.u32 $0x7, v4  }
0x4c: {  	[tilespmem:v7+s12+$0x0] =	vst.idx.msk $0xffff, v5;
	v5 =	vadd.s32 $0x61A80, v2;
	v7 =	vor.u32 $0x8, v4  }
0x4d: {  	[tilespmem:v3+s12+$0x0] =	vst.idx.msk $0xffff, v5;
	v3 =	vadd.s32 $0x7A120, v2;
	v5 =	vor.u32 $0x9, v4  }
0x4e: {  	v59 =	vor.u32 $0xA, v4;
	[tilespmem:v9+s12+$0x0] =	vst.idx.msk $0xffff, v3;
	v3 =	vadd.s32 $0x927C0, v2  }
0x4f: {  	s17 =	simm.s32 $0x0;
	v60 =	vor.u32 $0xB, v4;
	[tilespmem:v58+s12+$0x0] =	vst.idx.msk $0xffff, v3;
	v3 =	vadd.s32 $0xAAE60, v2  }
0x50: {  	v10 =	vor.u32 s17, v0;
	[tilespmem:v6+s12+$0x0] =	vst.idx.msk $0xffff, v3;
	v3 =	vadd.s32 $0xC3500, v2;
	v6 =	vor.u32 $0xC, v4  }
0x51: {  	v11 =	vmulhi.u32 $0x4EC4EC4F, v10;
	[tilespmem:v7+s12+$0x0] =	vst.idx.msk $0xffff, v3;
	v3 =	vadd.s32 $0xDBBA0, v2;
	v7 =	vor.u32 $0xD, v4  }
0x52: {  	[tilespmem:v5+s12+$0x0] =	vst.idx.msk $0xffff, v3;
	v3 =	vadd.s32 $0xF4240, v2;
	v5 =	vor.u32 $0xE, v4  }
0x53: {  	v61 =	vshrl.u32 v11, $0x2;
	v4 =	vor.u32 $0xF, v4;
	[tilespmem:v59+s12+$0x0] =	vst.idx.msk $0xffff, v3;
	v3 =	vadd.s32 $0x10C8E0, v2  }
0x54: {  	v62 =	vmul.u32 $0xFFFFFFF3, v61;
	[tilespmem:v60+s12+$0x0] =	vst.idx.msk $0xffff, v3;
	v3 =	vadd.s32 $0x124F80, v2  }
0x55: {  	[tilespmem:v6+s12+$0x0] =	vst.idx.msk $0xffff, v3;
	v3 =	vadd.s32 $0x13D620, v2  }
0x56: {  	v6 =	vadd.s32 v10, v62;
	[tilespmem:v7+s12+$0x0] =	vst.idx.msk $0xffff, v3;
	v3 =	vadd.s32 $0x155CC0, v2  }
0x57: {  	v2 =	vadd.s32 $0x16E360, v2;
	[tilespmem:v5+s12+$0x0] =	vst.idx.msk $0xffff, v3;
	v3 =	vand.u32 $0xF8, v61;
	v5 =	vshll.u32 v6, $0x7  }
0x58: {  	[tilespmem:v4+s12+$0x0] =	vst.idx.msk $0xffff, v2;
	v2 =	vand.u32 $0x7, v61;
	v3 =	vadd.s32 v3, v5;
	v4 =	vshll.u32 v10, $0x4  }
0x59: {  	[tilespmem:s14], [sflag:$0x1] =	stream.indirect.gather [hbm4b:s3+s13], $0x1, s12, s13, $0xb8;
	v2 =	vor.u32 v2, v3;
	[tilespmem:$0xDD00] =	vst v63  }
0x5a: {  	_ =	swait.ge [sflag:s15], $0x6800  }
0x5b: {  	[sflag:s15] =	ssyncset.done $0x0  }
0x5c: {  	[sflag:s15] =	ssyncadd.s32 $0xFFFF9800  }
0x5d: {  	v3 =	vld.idx.msk [tilespmem:v4+s14+$0x0], $0xffff  }
0x5e: {  	v6 =	vld.idx.msk [tilespmem:v2+s11+$0x0], $0xffff;
	_ =	sdelay $0x2  }
0x5f: {  	v2 =	vor.u32 $0x1, v4;
	_ =	sdelay $0x1  }
0x60: {  	v3 =	vmul.f32 v3, v6;
	_ =	sdelay $0x1  }
0x61: {  	[tilespmem:v4+s14+$0x0] =	vst.idx.msk $0xffff, v3  }
0x62: {  	v3 =	vld.idx.msk [tilespmem:v2+s14+$0x0], $0xffff;
	_ =	sdelay $0x2  }
0x63: {  	v5 =	vor.u32 $0x2, v4;
	_ =	sdelay $0x1  }
0x64: {  	v3 =	vmul.f32 v3, v6;
	_ =	sdelay $0x1  }
0x65: {  	[tilespmem:v2+s14+$0x0] =	vst.idx.msk $0xffff, v3  }
0x66: {  	v2 =	vld.idx.msk [tilespmem:v5+s14+$0x0], $0xffff;
	_ =	sdelay $0x2  }
0x67: {  	v3 =	vor.u32 $0x3, v4;
	_ =	sdelay $0x1  }
0x68: {  	v2 =	vmul.f32 v2, v6;
	_ =	sdelay $0x1  }
0x69: {  	[tilespmem:v5+s14+$0x0] =	vst.idx.msk $0xffff, v2  }
0x6a: {  	v2 =	vld.idx.msk [tilespmem:v3+s14+$0x0], $0xffff;
	_ =	sdelay $0x2  }
0x6b: {  	v5 =	vor.u32 $0x4, v4;
	_ =	sdelay $0x1  }
0x6c: {  	v2 =	vmul.f32 v2, v6;
	_ =	sdelay $0x1  }
0x6d: {  	[tilespmem:v3+s14+$0x0] =	vst.idx.msk $0xffff, v2  }
0x6e: {  	v2 =	vld.idx.msk [tilespmem:v5+s14+$0x0], $0xffff;
	_ =	sdelay $0x2  }
0x6f: {  	v3 =	vor.u32 $0x5, v4;
	_ =	sdelay $0x1  }
0x70: {  	v2 =	vmul.f32 v2, v6;
	_ =	sdelay $0x1  }
0x71: {  	[tilespmem:v5+s14+$0x0] =	vst.idx.msk $0xffff, v2  }
0x72: {  	v2 =	vld.idx.msk [tilespmem:v3+s14+$0x0], $0xffff;
	_ =	sdelay $0x2  }
0x73: {  	v5 =	vor.u32 $0x6, v4;
	_ =	sdelay $0x1  }
0x74: {  	v2 =	vmul.f32 v2, v6;
	_ =	sdelay $0x1  }
0x75: {  	[tilespmem:v3+s14+$0x0] =	vst.idx.msk $0xffff, v2  }
0x76: {  	v2 =	vld.idx.msk [tilespmem:v5+s14+$0x0], $0xffff;
	_ =	sdelay $0x2  }
0x77: {  	v3 =	vor.u32 $0x7, v4;
	_ =	sdelay $0x1  }
0x78: {  	v2 =	vmul.f32 v2, v6;
	_ =	sdelay $0x1  }
0x79: {  	[tilespmem:v5+s14+$0x0] =	vst.idx.msk $0xffff, v2  }
0x7a: {  	v2 =	vld.idx.msk [tilespmem:v3+s14+$0x0], $0xffff;
	_ =	sdelay $0x2  }
0x7b: {  	v5 =	vor.u32 $0x8, v4;
	_ =	sdelay $0x1  }
0x7c: {  	v2 =	vmul.f32 v2, v6;
	_ =	sdelay $0x1  }
0x7d: {  	[tilespmem:v3+s14+$0x0] =	vst.idx.msk $0xffff, v2  }
0x7e: {  	v2 =	vld.idx.msk [tilespmem:v5+s14+$0x0], $0xffff;
	_ =	sdelay $0x2  }
0x7f: {  	v3 =	vor.u32 $0x9, v4;
	_ =	sdelay $0x1  }
0x80: {  	v2 =	vmul.f32 v2, v6;
	_ =	sdelay $0x1  }
0x81: {  	[tilespmem:v5+s14+$0x0] =	vst.idx.msk $0xffff, v2  }
0x82: {  	v2 =	vld.idx.msk [tilespmem:v3+s14+$0x0], $0xffff;
	_ =	sdelay $0x2  }
0x83: {  	v5 =	vor.u32 $0xA, v4;
	_ =	sdelay $0x1  }
0x84: {  	v2 =	vmul.f32 v2, v6;
	_ =	sdelay $0x1  }
0x85: {  	[tilespmem:v3+s14+$0x0] =	vst.idx.msk $0xffff, v2  }
0x86: {  	v2 =	vld.idx.msk [tilespmem:v5+s14+$0x0], $0xffff;
	_ =	sdelay $0x2  }
0x87: {  	v3 =	vor.u32 $0xB, v4;
	_ =	sdelay $0x1  }
0x88: {  	v2 =	vmul.f32 v2, v6;
	_ =	sdelay $0x1  }
0x89: {  	[tilespmem:v5+s14+$0x0] =	vst.idx.msk $0xffff, v2  }
0x8a: {  	v2 =	vld.idx.msk [tilespmem:v3+s14+$0x0], $0xffff;
	_ =	sdelay $0x2  }
0x8b: {  	v5 =	vor.u32 $0xC, v4;
	_ =	sdelay $0x1  }
0x8c: {  	v2 =	vmul.f32 v2, v6;
	_ =	sdelay $0x1  }
0x8d: {  	[tilespmem:v3+s14+$0x0] =	vst.idx.msk $0xffff, v2  }
0x8e: {  	v2 =	vld.idx.msk [tilespmem:v5+s14+$0x0], $0xffff;
	_ =	sdelay $0x2  }
0x8f: {  	v3 =	vor.u32 $0xD, v4;
	_ =	sdelay $0x1  }
0x90: {  	v2 =	vmul.f32 v2, v6;
	_ =	sdelay $0x1  }
0x91: {  	[tilespmem:v5+s14+$0x0] =	vst.idx.msk $0xffff, v2  }
0x92: {  	v2 =	vld.idx.msk [tilespmem:v3+s14+$0x0], $0xffff;
	_ =	sdelay $0x2  }
0x93: {  	v5 =	vor.u32 $0xE, v4;
	_ =	sdelay $0x1  }
0x94: {  	v2 =	vmul.f32 v2, v6;
	_ =	sdelay $0x1  }
0x95: {  	[tilespmem:v3+s14+$0x0] =	vst.idx.msk $0xffff, v2  }
0x96: {  	v2 =	vld.idx.msk [tilespmem:v5+s14+$0x0], $0xffff;
	_ =	sdelay $0x1  }
0x97: {  	s31 =	simm.s32 $0x10  }
0x98: {  	v4 =	vor.u32 $0xF, v4;
	v3 =	vor.u32 s31, v0  }
0x99: {  	v7 =	vmulhi.u32 $0x4EC4EC4F, v3  }
0x9a: {  	v2 =	vmul.f32 v2, v6  }
0x9b: {  	v7 =	vshrl.u32 v7, $0x2  }
0x9c: {  	[tilespmem:v5+s14+$0x0] =	vst.idx.msk $0xffff, v2;
	v2 =	vmul.u32 $0xFFFFFFF3, v7  }
0x9d: {  	v63 =	vld.idx.msk [tilespmem:v4+s14+$0x0], $0xffff  }
0x9e: {  	v2 =	vadd.s32 v3, v2  }
0x9f: {  	v5 =	vand.u32 $0xF8, v7;
	v2 =	vshll.u32 v2, $0x7  }
0xa0: {  	v7 =	vand.u32 $0x7, v7;
	v5 =	vadd.s32 v5, v2;
	v2 =	vshll.u32 v3, $0x4  }
0xa1: {  	v5 =	vor.u32 v7, v5  }
0xa2: {  	s17 =	simm.s32 $0x20;
	v3 =	vmul.f32 v63, v6  }
.LBB2_4:
0xa3: {  	_ = 	snop  }
0xa4: {  	p0 =	sne.s32 s17, $0x670;
	s18 =	smov.u32 s17;
	s17 =	sadd.s32 $0x10, s17;
	[tilespmem:v4+s14+$0x0] =	vst.idx.msk $0xffff, v3  }
0xa5: {  	v4 =	vld.idx.msk [tilespmem:v2+s14+$0x0], $0xffff  }
0xa6: {  	v3 =	vld.idx.msk [tilespmem:v5+s11+$0x0], $0xffff;
	_ =	sdelay $0x3  }
0xa7: {  	v5 =	vor.u32 $0x1, v2;
	_ =	sdelay $0x1  }
0xa8: {  	v4 =	vmul.f32 v4, v3;
	_ =	sdelay $0x1  }
0xa9: {  	[tilespmem:v2+s14+$0x0] =	vst.idx.msk $0xffff, v4  }
0xaa: {  	v4 =	vld.idx.msk [tilespmem:v5+s14+$0x0], $0xffff;
	_ =	sdelay $0x3  }
0xab: {  	v6 =	vor.u32 $0x2, v2;
	_ =	sdelay $0x1  }
0xac: {  	v4 =	vmul.f32 v4, v3;
	_ =	sdelay $0x1  }
0xad: {  	[tilespmem:v5+s14+$0x0] =	vst.idx.msk $0xffff, v4  }
0xae: {  	v4 =	vld.idx.msk [tilespmem:v6+s14+$0x0], $0xffff;
	_ =	sdelay $0x3  }
0xaf: {  	v5 =	vor.u32 $0x3, v2;
	_ =	sdelay $0x1  }
0xb0: {  	v4 =	vmul.f32 v4, v3;
	_ =	sdelay $0x1  }
0xb1: {  	[tilespmem:v6+s14+$0x0] =	vst.idx.msk $0xffff, v4  }
0xb2: {  	v4 =	vld.idx.msk [tilespmem:v5+s14+$0x0], $0xffff;
	_ =	sdelay $0x3  }
0xb3: {  	v6 =	vor.u32 $0x4, v2;
	_ =	sdelay $0x1  }
0xb4: {  	v4 =	vmul.f32 v4, v3;
	_ =	sdelay $0x1  }
0xb5: {  	[tilespmem:v5+s14+$0x0] =	vst.idx.msk $0xffff, v4  }
0xb6: {  	v4 =	vld.idx.msk [tilespmem:v6+s14+$0x0], $0xffff;
	_ =	sdelay $0x3  }
0xb7: {  	v5 =	vor.u32 $0x5, v2;
	_ =	sdelay $0x1  }
0xb8: {  	v4 =	vmul.f32 v4, v3;
	_ =	sdelay $0x1  }
0xb9: {  	[tilespmem:v6+s14+$0x0] =	vst.idx.msk $0xffff, v4  }
0xba: {  	v4 =	vld.idx.msk [tilespmem:v5+s14+$0x0], $0xffff;
	_ =	sdelay $0x3  }
0xbb: {  	v6 =	vor.u32 $0x6, v2;
	_ =	sdelay $0x1  }
0xbc: {  	v4 =	vmul.f32 v4, v3;
	_ =	sdelay $0x1  }
0xbd: {  	[tilespmem:v5+s14+$0x0] =	vst.idx.msk $0xffff, v4  }
0xbe: {  	v4 =	vld.idx.msk [tilespmem:v6+s14+$0x0], $0xffff;
	_ =	sdelay $0x3  }
0xbf: {  	v5 =	vor.u32 $0x7, v2;
	_ =	sdelay $0x1  }
0xc0: {  	v4 =	vmul.f32 v4, v3;
	_ =	sdelay $0x1  }
0xc1: {  	[tilespmem:v6+s14+$0x0] =	vst.idx.msk $0xffff, v4  }
0xc2: {  	v4 =	vld.idx.msk [tilespmem:v5+s14+$0x0], $0xffff;
	_ =	sdelay $0x3  }
0xc3: {  	v6 =	vor.u32 $0x8, v2;
	_ =	sdelay $0x1  }
0xc4: {  	v4 =	vmul.f32 v4, v3;
	_ =	sdelay $0x1  }
0xc5: {  	[tilespmem:v5+s14+$0x0] =	vst.idx.msk $0xffff, v4  }
0xc6: {  	v4 =	vld.idx.msk [tilespmem:v6+s14+$0x0], $0xffff;
	_ =	sdelay $0x3  }
0xc7: {  	v5 =	vor.u32 $0x9, v2;
	_ =	sdelay $0x1  }
0xc8: {  	v4 =	vmul.f32 v4, v3;
	_ =	sdelay $0x1  }
0xc9: {  	[tilespmem:v6+s14+$0x0] =	vst.idx.msk $0xffff, v4  }
0xca: {  	v4 =	vld.idx.msk [tilespmem:v5+s14+$0x0], $0xffff;
	_ =	sdelay $0x3  }
0xcb: {  	v6 =	vor.u32 $0xA, v2;
	_ =	sdelay $0x1  }
0xcc: {  	v4 =	vmul.f32 v4, v3;
	_ =	sdelay $0x1  }
0xcd: {  	[tilespmem:v5+s14+$0x0] =	vst.idx.msk $0xffff, v4  }
0xce: {  	v4 =	vld.idx.msk [tilespmem:v6+s14+$0x0], $0xffff;
	_ =	sdelay $0x3  }
0xcf: {  	v5 =	vor.u32 $0xB, v2;
	_ =	sdelay $0x1  }
0xd0: {  	v4 =	vmul.f32 v4, v3;
	_ =	sdelay $0x1  }
0xd1: {  	[tilespmem:v6+s14+$0x0] =	vst.idx.msk $0xffff, v4  }
0xd2: {  	v4 =	vld.idx.msk [tilespmem:v5+s14+$0x0], $0xffff;
	_ =	sdelay $0x3  }
0xd3: {  	v6 =	vor.u32 $0xC, v2;
	_ =	sdelay $0x1  }
0xd4: {  	v4 =	vmul.f32 v4, v3;
	_ =	sdelay $0x1  }
0xd5: {  	[tilespmem:v5+s14+$0x0] =	vst.idx.msk $0xffff, v4  }
0xd6: {  	v4 =	vld.idx.msk [tilespmem:v6+s14+$0x0], $0xffff;
	_ =	sdelay $0x3  }
0xd7: {  	v5 =	vor.u32 $0xD, v2;
	_ =	sdelay $0x1  }
0xd8: {  	v4 =	vmul.f32 v4, v3;
	_ =	sdelay $0x1  }
0xd9: {  	[tilespmem:v6+s14+$0x0] =	vst.idx.msk $0xffff, v4  }
0xda: {  	v4 =	vld.idx.msk [tilespmem:v5+s14+$0x0], $0xffff;
	_ =	sdelay $0x3  }
0xdb: {  	v6 =	vor.u32 $0xE, v2;
	_ =	sdelay $0x1  }
0xdc: {  	v4 =	vmul.f32 v4, v3;
	_ =	sdelay $0x1  }
0xdd: {  	[tilespmem:v5+s14+$0x0] =	vst.idx.msk $0xffff, v4  }
0xde: {  	v5 =	vld.idx.msk [tilespmem:v6+s14+$0x0], $0xffff;
	_ =	sdelay $0x3  }
0xdf: {  	v4 =	vor.u32 $0xF, v2  }
0xe0: {  	v2 =	vor.u32 s18, v0  }
0xe1: {  	v7 =	vmulhi.u32 $0x4EC4EC4F, v2;
	v5 =	vmul.f32 v5, v3;
	_ =	sdelay $0x1  }
0xe2: {  	v7 =	vshrl.u32 v7, $0x2;
	[tilespmem:v6+s14+$0x0] =	vst.idx.msk $0xffff, v5  }
0xe3: {  	v5 =	vmul.u32 $0xFFFFFFF3, v7;
	v6 =	vld.idx.msk [tilespmem:v4+s14+$0x0], $0xffff;
	_ =	sdelay $0x1  }
.Ltmp1:
0xe4: {  	v5 =	vadd.s32 v2, v5;
	(pc) =	sbr.rel @p0 .LBB2_4-.Ltmp1, $4  }
0xe5: {  	v8 =	vand.u32 $0xF8, v7;
	v5 =	vshll.u32 v5, $0x7  }
0xe6: {  	v7 =	vand.u32 $0x7, v7;
	v2 =	vshll.u32 v2, $0x4;
	v5 =	vadd.s32 v8, v5  }
0xe7: {  	v5 =	vor.u32 v7, v5  }
0xe8: {  	v3 =	vmul.f32 v6, v3  }
0xe9: {  	_ =	sdelay $0x3  }
0xea: {  	[tilespmem:v4+s14+$0x0] =	vst.idx.msk $0xffff, v3  }
0xeb: {  	v3 =	vld.idx.msk [tilespmem:v2+s14+$0x0], $0xffff  }
0xec: {  	v4 =	vld.idx.msk [tilespmem:v5+s11+$0x0], $0xffff;
	_ =	sdelay $0x2  }
0xed: {  	v51 =	vor.u32 $0x1, v2;
	_ =	sdelay $0x1  }
0xee: {  	v3 =	vmul.f32 v3, v4;
	_ =	sdelay $0x1  }
0xef: {  	[tilespmem:v2+s14+$0x0] =	vst.idx.msk $0xffff, v3  }
0xf0: {  	v3 =	vld.idx.msk [tilespmem:v51+s14+$0x0], $0xffff;
	_ =	sdelay $0x2  }
0xf1: {  	v6 =	vor.u32 $0x2, v2;
	_ =	sdelay $0x1  }
0xf2: {  	v3 =	vmul.f32 v3, v4;
	_ =	sdelay $0x1  }
0xf3: {  	[tilespmem:v51+s14+$0x0] =	vst.idx.msk $0xffff, v3  }
0xf4: {  	v3 =	vld.idx.msk [tilespmem:v6+s14+$0x0], $0xffff;
	_ =	sdelay $0x2  }
0xf5: {  	v52 =	vor.u32 $0x3, v2;
	_ =	sdelay $0x1  }
0xf6: {  	v3 =	vmul.f32 v3, v4;
	_ =	sdelay $0x1  }
0xf7: {  	[tilespmem:v6+s14+$0x0] =	vst.idx.msk $0xffff, v3  }
0xf8: {  	v3 =	vld.idx.msk [tilespmem:v52+s14+$0x0], $0xffff;
	_ =	sdelay $0x2  }
0xf9: {  	v53 =	vor.u32 $0x4, v2;
	_ =	sdelay $0x1  }
0xfa: {  	v3 =	vmul.f32 v3, v4;
	_ =	sdelay $0x1  }
0xfb: {  	[tilespmem:v52+s14+$0x0] =	vst.idx.msk $0xffff, v3  }
0xfc: {  	v3 =	vld.idx.msk [tilespmem:v53+s14+$0x0], $0xffff;
	_ =	sdelay $0x2  }
0xfd: {  	v54 =	vor.u32 $0x5, v2;
	_ =	sdelay $0x1  }
0xfe: {  	v3 =	vmul.f32 v3, v4;
	_ =	sdelay $0x1  }
0xff: {  	[tilespmem:v53+s14+$0x0] =	vst.idx.msk $0xffff, v3  }
0x100: {  	v3 =	vld.idx.msk [tilespmem:v54+s14+$0x0], $0xffff;
	_ =	sdelay $0x2  }
0x101: {  	v55 =	vor.u32 $0x6, v2;
	_ =	sdelay $0x1  }
0x102: {  	v3 =	vmul.f32 v3, v4;
	_ =	sdelay $0x1  }
0x103: {  	[tilespmem:v54+s14+$0x0] =	vst.idx.msk $0xffff, v3  }
0x104: {  	v3 =	vld.idx.msk [tilespmem:v55+s14+$0x0], $0xffff;
	_ =	sdelay $0x2  }
0x105: {  	v56 =	vor.u32 $0x7, v2;
	_ =	sdelay $0x1  }
0x106: {  	v3 =	vmul.f32 v3, v4;
	_ =	sdelay $0x1  }
0x107: {  	[tilespmem:v55+s14+$0x0] =	vst.idx.msk $0xffff, v3  }
0x108: {  	v3 =	vld.idx.msk [tilespmem:v56+s14+$0x0], $0xffff;
	_ =	sdelay $0x2  }
0x109: {  	v57 =	vor.u32 $0x8, v2;
	_ =	sdelay $0x1  }
0x10a: {  	v3 =	vmul.f32 v3, v4;
	_ =	sdelay $0x1  }
0x10b: {  	[tilespmem:v56+s14+$0x0] =	vst.idx.msk $0xffff, v3  }
0x10c: {  	v3 =	vld.idx.msk [tilespmem:v57+s14+$0x0], $0xffff;
	_ =	sdelay $0x2  }
0x10d: {  	v58 =	vor.u32 $0x9, v2;
	_ =	sdelay $0x1  }
0x10e: {  	v3 =	vmul.f32 v3, v4;
	_ =	sdelay $0x1  }
0x10f: {  	[tilespmem:v57+s14+$0x0] =	vst.idx.msk $0xffff, v3  }
0x110: {  	v3 =	vld.idx.msk [tilespmem:v58+s14+$0x0], $0xffff;
	_ =	sdelay $0x2  }
0x111: {  	v59 =	vor.u32 $0xA, v2;
	_ =	sdelay $0x1  }
0x112: {  	v3 =	vmul.f32 v3, v4;
	_ =	sdelay $0x1  }
0x113: {  	[tilespmem:v58+s14+$0x0] =	vst.idx.msk $0xffff, v3  }
0x114: {  	v3 =	vld.idx.msk [tilespmem:v59+s14+$0x0], $0xffff;
	_ =	sdelay $0x2  }
0x115: {  	v60 =	vor.u32 $0xB, v2;
	_ =	sdelay $0x1  }
0x116: {  	v3 =	vmul.f32 v3, v4;
	_ =	sdelay $0x1  }
0x117: {  	[tilespmem:v59+s14+$0x0] =	vst.idx.msk $0xffff, v3  }
0x118: {  	v3 =	vld.idx.msk [tilespmem:v60+s14+$0x0], $0xffff;
	_ =	sdelay $0x2  }
0x119: {  	v61 =	vor.u32 $0xC, v2;
	_ =	sdelay $0x1  }
0x11a: {  	v3 =	vmul.f32 v3, v4;
	_ =	sdelay $0x1  }
0x11b: {  	[tilespmem:v60+s14+$0x0] =	vst.idx.msk $0xffff, v3  }
0x11c: {  	v3 =	vld.idx.msk [tilespmem:v61+s14+$0x0], $0xffff;
	_ =	sdelay $0x2  }
0x11d: {  	v62 =	vor.u32 $0xD, v2;
	_ =	sdelay $0x1  }
0x11e: {  	v3 =	vmul.f32 v3, v4;
	_ =	sdelay $0x1  }
0x11f: {  	[tilespmem:v61+s14+$0x0] =	vst.idx.msk $0xffff, v3  }
0x120: {  	v3 =	vld.idx.msk [tilespmem:v62+s14+$0x0], $0xffff;
	_ =	sdelay $0x2  }
0x121: {  	v63 =	vor.u32 $0xE, v2;
	_ =	sdelay $0x1  }
0x122: {  	v3 =	vmul.f32 v3, v4;
	_ =	sdelay $0x1  }
0x123: {  	[tilespmem:v62+s14+$0x0] =	vst.idx.msk $0xffff, v3  }
0x124: {  	v3 =	vld.idx.msk [tilespmem:v63+s14+$0x0], $0xffff;
	_ =	sdelay $0x2  }
0x125: {  	v2 =	vor.u32 $0xF, v2;
	_ =	sdelay $0x1  }
0x126: {  	v3 =	vmul.f32 v3, v4;
	_ =	sdelay $0x1  }
0x127: {  	[tilespmem:v63+s14+$0x0] =	vst.idx.msk $0xffff, v3  }
0x128: {  	v3 =	vld.idx.msk [tilespmem:v2+s14+$0x0], $0xffff;
	_ =	sdelay $0x4  }
0x129: {  	s16 =	sadd.s32 $0x1, s16;
	v3 =	vmul.f32 v3, v4  }
0x12a: {  	p0 =	sne.s32 s16, s7  }
.Ltmp2:
0x12b: {  	[tilespmem:v2+s14+$0x0] =	vst.idx.msk $0xffff, v3;
	(pc) =	sbr.rel @p0 .LBB2_1-.Ltmp2, $4  }
0x12c: {  	[hbm4b:s6+s2] =	stream.linear.scatter [tilespmem:s14], [sflag:$0x2], $0x6800, $0x38;
	[tilespmem:$0xDD00] =	vst v63  }
0x12d: {  	_ =	swait.ge [sflag:s8], $0x6800  }
0x12e: {  	[sflag:s8] =	ssyncset.done $0x0  }
0x12f: {  	[sflag:s8] =	ssyncadd.s32 $0xFFFF9800  }
0x130: {  	_ =	sfence.sel $0x180000  }
0x131: {  	[bflag:$0x0] =	sbarrier.arrive $0xFFFF  }
0x132: {  	p0 =	sne.s32 s0, $0x0;
	_ =	strace $0x9000004A  }
0x133: {  	s0 =	sadd.s32 @!p0 $0x100000, s1;
	[bflag:$0x2] =	sbarrier.arrive $0xFFFF  }
0x134: {  	[sflag:s0] =	ssyncadd.tile.s32 @!p0 $0x1;
	_ =	shalt  }
.Lfunc_end2:
_tile_overlayer_lowered:
.L_overlay_start_2:
0x135: {  	(tag) =	ssettag $0x2  }
0x136: {  	s0 =	rddreg [dreg:$0x0];
	s2 =	stileid.u32  }
0x137: {  	s1 =	rddreg [dreg:$0x1];
	p0 =	sne.s32 s2, $0x0  }
0x138: {  	s3 =	rddreg [dreg:$0x2];
	[bflag:$0x3] =	sbarrier.arrive $0xFFFF;
	s2 =	simm.s32 @!p0 $0x1C02  }
0x139: {  	[timem:s3], [sflag:s2] =	dma.local @!p0 [hbm:s0], s1  }
0x13a: {  	s0 =	simm.s32 @!p0 $0x2  }
0x13b: {  	_ =	swait.ge @!p0 [sflag:s0], s1  }
0x13c: {  	s1 =	ssub.s32 @!p0 $0x0, s1;
	[sflag:s0] =	ssyncset.done @!p0 $0x0  }
0x13d: {  	[sflag:s0] =	ssyncadd.s32 @!p0 s1  }
0x13e: {  	[bflag:$0x3] =	sbarrier.arrive $0xFFFF  }
0x13f: {  	_ =	shalt  }

</sc_bundles>
